<compile_context>
chip_gen: v7x
topology: tpu7x:2x2x1
jax: 0.10.2.dev20260603
libtpu: 0.0.44.dev20260713+nightly
codegen_flags: <defaults>
</compile_context>

<pallas_src>
import functools

import jax
import jax.numpy as jnp
from jax import lax
from jax.experimental import pallas as pl
from jax.experimental.pallas import tpu as pltpu
from jax.experimental.pallas import tpu_sc as plsc

_N = 10000
_E = 320000
_D = 128
_NC = 2
_NS = 16
_NW = _NC * _NS
_CHUNK = 128
_EPAD = 327680
_EPW = _EPAD // _NW
_NCHUNK = _EPW // _CHUNK
_HCH = _NCHUNK // 2
_NPAD = 10240
_RPT = _NPAD // _NS
_DEGW = 16
_BLK = 2000



@functools.lru_cache(maxsize=None)
def _sc_kernels():
    mesh = plsc.VectorSubcoreMesh(core_axis_name="c", subcore_axis_name="s")

    @functools.partial(
        pl.kernel,
        out_type=jax.ShapeDtypeStruct((_NC, _NPAD, _DEGW), jnp.float32),
        mesh=mesh,
        scratch_types=[
            pltpu.VMEM((_NCHUNK, _CHUNK), jnp.int32),
            pltpu.VMEM((_CHUNK,), jnp.float32),
            pltpu.VMEM((_RPT,), jnp.float32),
            pltpu.VMEM((_RPT, _DEGW), jnp.float32),
            pltpu.VMEM_SHARED((_NPAD,), jnp.float32),
        ],
    )
    def deg_kernel(dst_hbm, zeros_hbm, ones_hbm, out_hbm,
                   didx, ones, dloc, dbc, acc):
        cid = lax.axis_index("c")
        sid = lax.axis_index("s")
        wid = sid * _NC + cid
        rbase = sid * _RPT
        pltpu.sync_copy(zeros_hbm.at[pl.ds(rbase, _RPT)],
                        acc.at[pl.ds(rbase, _RPT)])
        pltpu.sync_copy(dst_hbm.at[wid], didx)
        pltpu.sync_copy(ones_hbm, ones)
        plsc.subcore_barrier()

        def body(j, carry):
            pltpu.sync_copy(ones, acc.at[didx.at[j]], add=True)
            return carry

        lax.fori_loop(0, _NCHUNK, body, 0)
        plsc.subcore_barrier()
        pltpu.sync_copy(acc.at[pl.ds(rbase, _RPT)], dloc)

        def bcast(t, carry):
            v = dloc[pl.ds(t * 16, 16)]
            for k in range(16):
                dbc[t * 16 + k, :] = jnp.full((_DEGW,), v[k], jnp.float32)
            return carry

        lax.fori_loop(0, _RPT // 16, bcast, 0)
        pltpu.sync_copy(dbc, out_hbm.at[cid, pl.ds(rbase, _RPT)])

    @functools.partial(
        pl.kernel,
        out_type=jax.ShapeDtypeStruct((_NC, _NPAD, _D), jnp.float32),
        mesh=mesh,
        scratch_types=[
            pltpu.VMEM((_HCH, _CHUNK), jnp.int32),
            pltpu.VMEM((_HCH, _CHUNK), jnp.int32),
            pltpu.VMEM((2, _CHUNK, _D), jnp.float32),
            pltpu.VMEM_SHARED((_NPAD, _D), jnp.float32),
            pltpu.SemaphoreType.DMA,
            pltpu.SemaphoreType.DMA,
            pltpu.SemaphoreType.DMA,
            pltpu.SemaphoreType.DMA,
        ],
    )
    def scatter_kernel(g_hbm, src_hbm, dst_hbm, zeros_hbm, out_hbm,
                       sidx, didx, rows, acc, gsem0, gsem1, ssem0, ssem1):
        cid = lax.axis_index("c")
        sid = lax.axis_index("s")
        wid = sid * _NC + cid
        rbase = sid * _RPT
        pltpu.sync_copy(zeros_hbm.at[pl.ds(rbase, _RPT)],
                        acc.at[pl.ds(rbase, _RPT)])
        plsc.subcore_barrier()

        def half(h, carry):
            pltpu.sync_copy(src_hbm.at[wid, pl.ds(h * _HCH, _HCH)], sidx)
            pltpu.sync_copy(dst_hbm.at[wid, pl.ds(h * _HCH, _HCH)], didx)
            pltpu.async_copy(g_hbm.at[sidx.at[0]], rows.at[0], gsem0)

            def body(t, carry2):
                j0 = 2 * t
                j1 = 2 * t + 1
                pltpu.async_copy(g_hbm.at[sidx.at[j1]], rows.at[1], gsem1)
                pltpu.make_async_copy(g_hbm.at[sidx.at[j0]], rows.at[0],
                                      gsem0).wait()
                pltpu.sync_copy(rows.at[0], acc.at[didx.at[j0]], add=True)

                @pl.when(t + 1 < _HCH // 2)
                def _():
                    pltpu.async_copy(g_hbm.at[sidx.at[j0 + 2]], rows.at[0],
                                     gsem0)

                pltpu.make_async_copy(g_hbm.at[sidx.at[j1]], rows.at[1],
                                      gsem1).wait()
                pltpu.sync_copy(rows.at[1], acc.at[didx.at[j1]], add=True)
                return carry2

            lax.fori_loop(0, _HCH // 2, body, 0)
            return carry

        lax.fori_loop(0, 2, half, 0)
        plsc.subcore_barrier()
        pltpu.sync_copy(acc.at[pl.ds(rbase, _RPT)],
                        out_hbm.at[cid, pl.ds(rbase, _RPT)])

    return deg_kernel, scatter_kernel



def _dinv_from(deg_ref):
    deg = deg_ref[0] + deg_ref[1] + 1.0
    return lax.rsqrt(deg)[:, 0:1]


def _tc_a1_body(x_ref, w1_ref, h1_ref):
    h1_ref[...] = jnp.dot(x_ref[...], w1_ref[...],
                          preferred_element_type=jnp.float32)


def _tc_a2_body(h1_ref, deg_ref, g1_ref):
    g1_ref[...] = _dinv_from(deg_ref) * h1_ref[...]


def _tc_b_body(acc_ref, g1_ref, deg_ref, b1_ref, w2_ref, g2_ref):
    dinv = _dinv_from(deg_ref)
    s = acc_ref[0] + acc_ref[1] + g1_ref[...]
    cur1 = jnp.maximum(dinv * s + b1_ref[...], 0.0)
    h2 = jnp.dot(cur1, w2_ref[...], preferred_element_type=jnp.float32)
    g2_ref[...] = dinv * h2


def _tc_c_body(acc_ref, g2_ref, deg_ref, b2_ref, hid_ref,
               wu_ref, bu_ref, wr_ref, br_ref, wc_ref, bc_ref, out_ref):
    dinv = _dinv_from(deg_ref)
    cur = dinv * (acc_ref[0] + acc_ref[1] + g2_ref[...]) + b2_ref[...]
    hid = hid_ref[...]

    def two_mm(w_ref, right):
        return (jnp.dot(cur, w_ref[0], preferred_element_type=jnp.float32)
                + jnp.dot(right, w_ref[1], preferred_element_type=jnp.float32))

    update = jax.nn.sigmoid(two_mm(wu_ref, hid) + bu_ref[...])
    reset = jax.nn.sigmoid(two_mm(wr_ref, hid) + br_ref[...])
    cand = jnp.tanh(two_mm(wc_ref, reset * hid) + bc_ref[...])
    out_ref[...] = hid + update * (cand - hid)


def _row_spec(blk):
    return pl.BlockSpec((blk, _D), lambda i: (i, 0))


_FULL_W = pl.BlockSpec((_D, _D), lambda i: (0, 0))
_FULL_W2 = pl.BlockSpec((2, _D, _D), lambda i: (0, 0, 0))
_BIAS = pl.BlockSpec((1, _D), lambda i: (0, 0))
_DEG_SPEC = pl.BlockSpec((_NC, _BLK, _DEGW), lambda i: (0, i, 0))
_ACC_SPEC = pl.BlockSpec((_NC, _BLK, _D), lambda i: (0, i, 0))


def _tc_a1(x, w1):
    return pl.pallas_call(
        _tc_a1_body,
        grid=(_N // _BLK,),
        in_specs=[_row_spec(_BLK), _FULL_W],
        out_specs=_row_spec(_BLK),
        out_shape=jax.ShapeDtypeStruct((_N, _D), jnp.float32),
    )(x, w1)


def _tc_a2(h1, degp):
    return pl.pallas_call(
        _tc_a2_body,
        grid=(_N // _BLK,),
        in_specs=[_row_spec(_BLK), _DEG_SPEC],
        out_specs=_row_spec(_BLK),
        out_shape=jax.ShapeDtypeStruct((_N, _D), jnp.float32),
    )(h1, degp)


def _tc_b(acc1, g1, degp, b1, w2):
    return pl.pallas_call(
        _tc_b_body,
        grid=(_N // _BLK,),
        in_specs=[_ACC_SPEC, _row_spec(_BLK), _DEG_SPEC, _BIAS, _FULL_W],
        out_specs=_row_spec(_BLK),
        out_shape=jax.ShapeDtypeStruct((_N, _D), jnp.float32),
    )(acc1, g1, degp, b1, w2)


def _tc_c(acc2, g2, degp, b2, hid, wu, bu, wr, br, wc, bc):
    return pl.pallas_call(
        _tc_c_body,
        grid=(_N // _BLK,),
        in_specs=[_ACC_SPEC, _row_spec(_BLK), _DEG_SPEC, _BIAS,
                  _row_spec(_BLK), _FULL_W2, _BIAS, _FULL_W2, _BIAS,
                  _FULL_W2, _BIAS],
        out_specs=_row_spec(_BLK),
        out_shape=jax.ShapeDtypeStruct((_N, _D), jnp.float32),
    )(acc2, g2, degp, b2, hid, wu, bu, wr, br, wc, bc)



def kernel(x, edge_index, hidden_state, W1, b1, W2, b2, Wu, bu, Wr, br, Wc, bc):
    deg_kernel, scatter_kernel = _sc_kernels()

    npad_e = _EPAD - _E
    pad_iota = jnp.arange(npad_e, dtype=edge_index.dtype)
    src3 = jnp.concatenate(
        [edge_index[0], pad_iota % _N]
    ).reshape(_NW, _NCHUNK, _CHUNK)
    dst3 = jnp.concatenate(
        [edge_index[1], _N + pad_iota % (_NPAD - _N)]
    ).reshape(_NW, _NCHUNK, _CHUNK)
    zeros_deg = jnp.zeros((_NPAD,), jnp.float32)
    zeros_nd = jnp.zeros((_NPAD, _D), jnp.float32)

    b1r = b1.reshape(1, _D)
    b2r = b2.reshape(1, _D)
    bur = bu.reshape(1, _D)
    brr = br.reshape(1, _D)
    bcr = bc.reshape(1, _D)
    wu2 = Wu.reshape(2, _D, _D)
    wr2 = Wr.reshape(2, _D, _D)
    wc2 = Wc.reshape(2, _D, _D)

    ones_ch = jnp.ones((_CHUNK,), jnp.float32)
    h1 = _tc_a1(x, W1)
    degp = deg_kernel(dst3, zeros_deg, ones_ch)
    g1 = _tc_a2(h1, degp)
    acc1 = scatter_kernel(g1, src3, dst3, zeros_nd)
    g2 = _tc_b(acc1, g1, degp, b1r, W2)
    acc2 = scatter_kernel(g2, src3, dst3, zeros_nd)
    return _tc_c(acc2, g2, degp, b2r, hidden_state,
                 wu2, bur, wr2, brr, wc2, bcr)

# --- scband reference (transcript-rebuilt; emitter-appended) ---
"""Pipeline reference for scband-temporal-gcncell-57123065037360 (READ-ONLY COPY).

The authoritative reference and input builder live on the scoring server;
editing this copy changes nothing except your own understanding.
"""

import jax, jax.numpy as jnp
import numpy as np

N = 10000
E = 320000
D_IN = 128
D_H = 128


def gcn_conv(x, edge_index, W, b):
    # PyG-style GCNConv: add self-loops, symmetric normalization, linear transform,
    # scatter-add aggregation over destination nodes, plus bias.
    n = x.shape[0]
    loop = jnp.arange(n, dtype=edge_index.dtype)
    src = jnp.concatenate([edge_index[0], loop])
    dst = jnp.concatenate([edge_index[1], loop])
    deg = jnp.zeros((n,), dtype=x.dtype).at[dst].add(1.0)
    dinv = jax.lax.rsqrt(deg)  # deg >= 1 because of self-loops
    norm = dinv[src] * dinv[dst]
    h = x @ W
    msg = jnp.take(h, src, axis=0) * norm[:, None]
    out = jnp.zeros((n, W.shape[1]), dtype=x.dtype).at[dst].add(msg)
    return out + b


def setup_inputs(seed: int = 0) -> dict:
    key = jax.random.key(seed)
    ks = jax.random.split(key, 14)
    x = jax.random.normal(ks[0], (N, D_IN), dtype=jnp.float32)
    edge_index = jax.random.randint(ks[1], (2, E), 0, N, dtype=jnp.int32)
    hidden_state = jax.random.normal(ks[2], (N, D_H), dtype=jnp.float32)
    s_in = 1.0 / np.sqrt(D_IN)
    s_h = 1.0 / np.sqrt(D_H)
    s_2h = 1.0 / np.sqrt(2 * D_H)
    W1 = jax.random.uniform(ks[3], (D_IN, D_H), jnp.float32, -s_in, s_in)
    b1 = jax.random.uniform(ks[4], (D_H,), jnp.float32, -s_in, s_in)
    W2 = jax.random.uniform(ks[5], (D_H, D_H), jnp.float32, -s_h, s_h)
    b2 = jax.random.uniform(ks[6], (D_H,), jnp.float32, -s_h, s_h)
    Wu = jax.random.uniform(ks[7], (2 * D_H, D_H), jnp.float32, -s_2h, s_2h)
    bu = jax.random.uniform(ks[8], (D_H,), jnp.float32, -s_2h, s_2h)
    Wr = jax.random.uniform(ks[9], (2 * D_H, D_H), jnp.float32, -s_2h, s_2h)
    br = jax.random.uniform(ks[10], (D_H,), jnp.float32, -s_2h, s_2h)
    Wc = jax.random.uniform(ks[11], (2 * D_H, D_H), jnp.float32, -s_2h, s_2h)
    bc = jax.random.uniform(ks[12], (D_H,), jnp.float32, -s_2h, s_2h)
    return {"x": x, "edge_index": edge_index, "hidden_state": hidden_state,
            "W1": W1, "b1": b1, "W2": W2, "b2": b2,
            "Wu": Wu, "bu": bu, "Wr": Wr, "br": br, "Wc": Wc, "bc": bc}


def reference(x, edge_index, hidden_state, W1, b1, W2, b2, Wu, bu, Wr, br, Wc, bc):
    # gcn_input + relu (dropout is identity in eval mode)
    cur = jax.nn.relu(gcn_conv(x, edge_index, W1, b1))
    # gcn_hidden
    cur = gcn_conv(cur, edge_index, W2, b2)
    combined = jnp.concatenate([cur, hidden_state], axis=1)
    update = jax.nn.sigmoid(combined @ Wu + bu)
    reset = jax.nn.sigmoid(combined @ Wr + br)
    reset_hidden = reset * hidden_state
    cand_in = jnp.concatenate([cur, reset_hidden], axis=1)
    candidate = jnp.tanh(cand_in @ Wc + bc)
    new_hidden = (1.0 - update) * hidden_state + update * candidate
    return new_hidden

if __name__ == "__main__":
    import jax
    _d = setup_inputs()
    print(jax.jit(kernel)(*tuple(_d.values())))

</pallas_src>

<mosaic_0001>
#map = affine_map<(d0, d1) -> (0, 0)>
#map1 = affine_map<(d0, d1) -> (0, 0, 0)>
module attributes {stable_mosaic.version = 14 : i64} {
  func.func @scatter_kernel(%arg0: i32, %arg1: i32, %arg2: memref<10000x128xf32, #tpu.memory_space<hbm>>, %arg3: memref<32x80x128xi32, #tpu.memory_space<hbm>>, %arg4: memref<32x80x128xi32, #tpu.memory_space<hbm>>, %arg5: memref<10240x128xf32, #tpu.memory_space<hbm>>, %arg6: memref<2x10240x128xf32, #tpu.memory_space<hbm>>, %arg7: memref<40x128xi32, #tpu.memory_space<vmem>>, %arg8: memref<40x128xi32, #tpu.memory_space<vmem>>, %arg9: memref<2x128x128xf32, #tpu.memory_space<vmem>>, %arg10: memref<10240x128xf32, #tpu.memory_space<vmem_shared>>, %arg11: memref<!tpu.dma_semaphore, #tpu.memory_space<semaphore_mem>>, %arg12: memref<!tpu.dma_semaphore, #tpu.memory_space<semaphore_mem>>, %arg13: memref<!tpu.dma_semaphore, #tpu.memory_space<semaphore_mem>>, %arg14: memref<!tpu.dma_semaphore, #tpu.memory_space<semaphore_mem>>) attributes {dimension_semantics = [#tpu.dimension_semantics<core_parallel>, #tpu.dimension_semantics<subcore_parallel>], iteration_bounds = array<i64: 2, 16>, scalar_prefetch = 0 : i64, scratch_operands = 8 : i64, tpu.core_type = #tpu.core_type<sc_vector_subcore>, window_params = [{transform_indices = #map}, {transform_indices = #map1}, {transform_indices = #map1}, {transform_indices = #map}, {transform_indices = #map1}]} {
    %mul3A = arith.constant 2 : i32
    %mul3A_0 = arith.muli %arg1, %mul3A : i32
    %add3A = arith.addi %mul3A_0, %arg0 : i32
    %mul3A_1 = arith.constant 640 : i32
    %mul3A_2 = arith.muli %arg1, %mul3A_1 : i32
    "tpu.region"() ({
      %run_scoped3A = tpu.sem_alloc : memref<!tpu.dma_semaphore, #tpu.memory_space<semaphore_mem>>
      %dma_start3A = arith.constant 0 : i32
      %dma_start3A_9 = tpu.memref_slice %arg10[%mul3A_2, %dma_start3A] : memref<10240x128xf32, #tpu.memory_space<vmem_shared>> -> memref<640x128xf32, #tpu.memory_space<vmem_shared>>
      %dma_start3A_10 = arith.constant 0 : i32
      %dma_start3A_11 = tpu.memref_slice %arg5[%mul3A_2, %dma_start3A_10] : memref<10240x128xf32, #tpu.memory_space<hbm>> -> memref<640x128xf32, #tpu.memory_space<hbm>>
      tpu.enqueue_dma source(%dma_start3A_11 : memref<640x128xf32, #tpu.memory_space<hbm>>) target(%dma_start3A_9 : memref<640x128xf32, #tpu.memory_space<vmem_shared>>) target_semaphore(%run_scoped3A : memref<!tpu.dma_semaphore, #tpu.memory_space<semaphore_mem>>)
      %dma_wait3A = arith.constant 0 : i32
      %dma_wait3A_12 = tpu.memref_slice %arg10[%mul3A_2, %dma_wait3A] : memref<10240x128xf32, #tpu.memory_space<vmem_shared>> -> memref<640x128xf32, #tpu.memory_space<vmem_shared>>
      %dma_wait3A_13 = arith.constant 0 : i32
      %dma_wait3A_14 = tpu.memref_slice %arg5[%mul3A_2, %dma_wait3A_13] : memref<10240x128xf32, #tpu.memory_space<hbm>> -> memref<640x128xf32, #tpu.memory_space<hbm>>
      tpu.wait_dma2 semaphore(%run_scoped3A : memref<!tpu.dma_semaphore, #tpu.memory_space<semaphore_mem>>) src(%dma_wait3A_14 : memref<640x128xf32, #tpu.memory_space<hbm>>) dst(%dma_wait3A_12 : memref<640x128xf32, #tpu.memory_space<vmem_shared>>)
      tpu.yield
    }) : () -> ()
    %barrier3A = arith.constant 0 : index
    tpu.barrier barrier_id(%barrier3A)
    %scan3A = arith.constant 0 : i32
    %scan3A_3 = arith.constant 0 : i32
    %scan3A_4 = arith.constant 2 : i32
    %scan3A_5 = arith.addi %scan3A_3, %scan3A_4 : i32
    %scan3A_6 = arith.constant 1 : i32
    scf.for %scan3A_9 = %scan3A_3 to %scan3A_5 step %scan3A_6  : i32 {
      %mul3A_10 = arith.constant 40 : i32
      %mul3A_11 = arith.muli %scan3A_9, %mul3A_10 : i32
      "tpu.region"() ({
        %run_scoped3A = tpu.sem_alloc : memref<!tpu.dma_semaphore, #tpu.memory_space<semaphore_mem>>
        %dma_start3A_31 = arith.constant 0 : i32
        %dma_start3A_32 = tpu.memref_slice %arg3[%add3A, %mul3A_11, %dma_start3A_31] : memref<32x80x128xi32, #tpu.memory_space<hbm>> -> memref<1x40x128xi32, #tpu.memory_space<hbm>>
        %dma_start3A_33 = tpu.memref_squeeze %dma_start3A_32 : memref<1x40x128xi32, #tpu.memory_space<hbm>> -> memref<40x128xi32, #tpu.memory_space<hbm>>
        %dma_start3A_34 = arith.constant 0 : i32
        %dma_start3A_35 = tpu.memref_slice %arg3[%add3A, %mul3A_11, %dma_start3A_34] : memref<32x80x128xi32, #tpu.memory_space<hbm>> -> memref<1x40x128xi32, #tpu.memory_space<hbm>>
        %dma_start3A_36 = tpu.memref_squeeze %dma_start3A_35 : memref<1x40x128xi32, #tpu.memory_space<hbm>> -> memref<40x128xi32, #tpu.memory_space<hbm>>
        tpu.enqueue_dma source(%dma_start3A_36 : memref<40x128xi32, #tpu.memory_space<hbm>>) target(%arg7 : memref<40x128xi32, #tpu.memory_space<vmem>>) target_semaphore(%run_scoped3A : memref<!tpu.dma_semaphore, #tpu.memory_space<semaphore_mem>>)
        %dma_wait3A = arith.constant 0 : i32
        %dma_wait3A_37 = tpu.memref_slice %arg3[%add3A, %mul3A_11, %dma_wait3A] : memref<32x80x128xi32, #tpu.memory_space<hbm>> -> memref<1x40x128xi32, #tpu.memory_space<hbm>>
        %dma_wait3A_38 = tpu.memref_squeeze %dma_wait3A_37 : memref<1x40x128xi32, #tpu.memory_space<hbm>> -> memref<40x128xi32, #tpu.memory_space<hbm>>
        %dma_wait3A_39 = arith.constant 0 : i32
        %dma_wait3A_40 = tpu.memref_slice %arg3[%add3A, %mul3A_11, %dma_wait3A_39] : memref<32x80x128xi32, #tpu.memory_space<hbm>> -> memref<1x40x128xi32, #tpu.memory_space<hbm>>
        %dma_wait3A_41 = tpu.memref_squeeze %dma_wait3A_40 : memref<1x40x128xi32, #tpu.memory_space<hbm>> -> memref<40x128xi32, #tpu.memory_space<hbm>>
        tpu.wait_dma2 semaphore(%run_scoped3A : memref<!tpu.dma_semaphore, #tpu.memory_space<semaphore_mem>>) src(%dma_wait3A_41 : memref<40x128xi32, #tpu.memory_space<hbm>>) dst(%arg7 : memref<40x128xi32, #tpu.memory_space<vmem>>)
        tpu.yield
      }) : () -> ()
      %mul3A_12 = arith.constant 40 : i32
      %mul3A_13 = arith.muli %scan3A_9, %mul3A_12 : i32
      "tpu.region"() ({
        %run_scoped3A = tpu.sem_alloc : memref<!tpu.dma_semaphore, #tpu.memory_space<semaphore_mem>>
        %dma_start3A_31 = arith.constant 0 : i32
        %dma_start3A_32 = tpu.memref_slice %arg4[%add3A, %mul3A_13, %dma_start3A_31] : memref<32x80x128xi32, #tpu.memory_space<hbm>> -> memref<1x40x128xi32, #tpu.memory_space<hbm>>
        %dma_start3A_33 = tpu.memref_squeeze %dma_start3A_32 : memref<1x40x128xi32, #tpu.memory_space<hbm>> -> memref<40x128xi32, #tpu.memory_space<hbm>>
        %dma_start3A_34 = arith.constant 0 : i32
        %dma_start3A_35 = tpu.memref_slice %arg4[%add3A, %mul3A_13, %dma_start3A_34] : memref<32x80x128xi32, #tpu.memory_space<hbm>> -> memref<1x40x128xi32, #tpu.memory_space<hbm>>
        %dma_start3A_36 = tpu.memref_squeeze %dma_start3A_35 : memref<1x40x128xi32, #tpu.memory_space<hbm>> -> memref<40x128xi32, #tpu.memory_space<hbm>>
        tpu.enqueue_dma source(%dma_start3A_36 : memref<40x128xi32, #tpu.memory_space<hbm>>) target(%arg8 : memref<40x128xi32, #tpu.memory_space<vmem>>) target_semaphore(%run_scoped3A : memref<!tpu.dma_semaphore, #tpu.memory_space<semaphore_mem>>)
        %dma_wait3A = arith.constant 0 : i32
        %dma_wait3A_37 = tpu.memref_slice %arg4[%add3A, %mul3A_13, %dma_wait3A] : memref<32x80x128xi32, #tpu.memory_space<hbm>> -> memref<1x40x128xi32, #tpu.memory_space<hbm>>
        %dma_wait3A_38 = tpu.memref_squeeze %dma_wait3A_37 : memref<1x40x128xi32, #tpu.memory_space<hbm>> -> memref<40x128xi32, #tpu.memory_space<hbm>>
        %dma_wait3A_39 = arith.constant 0 : i32
        %dma_wait3A_40 = tpu.memref_slice %arg4[%add3A, %mul3A_13, %dma_wait3A_39] : memref<32x80x128xi32, #tpu.memory_space<hbm>> -> memref<1x40x128xi32, #tpu.memory_space<hbm>>
        %dma_wait3A_41 = tpu.memref_squeeze %dma_wait3A_40 : memref<1x40x128xi32, #tpu.memory_space<hbm>> -> memref<40x128xi32, #tpu.memory_space<hbm>>
        tpu.wait_dma2 semaphore(%run_scoped3A : memref<!tpu.dma_semaphore, #tpu.memory_space<semaphore_mem>>) src(%dma_wait3A_41 : memref<40x128xi32, #tpu.memory_space<hbm>>) dst(%arg8 : memref<40x128xi32, #tpu.memory_space<vmem>>)
        tpu.yield
      }) : () -> ()
      %dma_start3A = arith.constant 0 : i32
      %dma_start3A_14 = arith.constant 0 : i32
      %dma_start3A_15 = arith.constant 0 : i32
      %dma_start3A_16 = arith.constant 0 : i32
      %dma_start3A_17 = tpu.memref_slice %arg9[%dma_start3A_14, %dma_start3A_15, %dma_start3A_16] : memref<2x128x128xf32, #tpu.memory_space<vmem>> -> memref<1x128x128xf32, #tpu.memory_space<vmem>>
      %dma_start3A_18 = tpu.memref_squeeze %dma_start3A_17 : memref<1x128x128xf32, #tpu.memory_space<vmem>> -> memref<128x128xf32, #tpu.memory_space<vmem>>
      %dma_start3A_19 = arith.constant 0 : i32
      %dma_start3A_20 = tpu.memref_slice %arg7[%dma_start3A, %dma_start3A_19] : memref<40x128xi32, #tpu.memory_space<vmem>> -> memref<1x128xi32, #tpu.memory_space<vmem>>
      %dma_start3A_21 = tpu.memref_squeeze %dma_start3A_20 : memref<1x128xi32, #tpu.memory_space<vmem>> -> memref<128xi32, #tpu.memory_space<vmem>>
      %dma_start3A_22 = arith.constant 0 : i32
      %dma_start3A_23 = arith.constant 0 : i32
      %dma_start3A_24 = tpu.memref_slice %arg2[%dma_start3A_22, %dma_start3A_23] : memref<10000x128xf32, #tpu.memory_space<hbm>> -> memref<10000x128xf32, #tpu.memory_space<hbm>>
      tpu.enqueue_indirect_dma source(%dma_start3A_24 : memref<10000x128xf32, #tpu.memory_space<hbm>>) target(%dma_start3A_18 : memref<128x128xf32, #tpu.memory_space<vmem>>) offsets(%dma_start3A_21 : memref<128xi32, #tpu.memory_space<vmem>>) semaphore(%arg11 : memref<!tpu.dma_semaphore, #tpu.memory_space<semaphore_mem>>)
      %scan3A_25 = arith.constant 0 : i32
      %scan3A_26 = arith.constant 0 : i32
      %scan3A_27 = arith.constant 20 : i32
      %scan3A_28 = arith.addi %scan3A_26, %scan3A_27 : i32
      %scan3A_29 = arith.constant 1 : i32
      scf.for %scan3A_31 = %scan3A_26 to %scan3A_28 step %scan3A_29  : i32 {
        %mul3A_32 = arith.constant 2 : i32
        %mul3A_33 = arith.muli %mul3A_32, %scan3A_31 : i32
        %mul3A_34 = arith.constant 2 : i32
        %mul3A_35 = arith.muli %mul3A_34, %scan3A_31 : i32
        %add3A_36 = arith.constant 1 : i32
        %add3A_37 = arith.addi %mul3A_35, %add3A_36 : i32
        %dma_start3A_38 = arith.constant 1 : i32
        %dma_start3A_39 = arith.constant 0 : i32
        %dma_start3A_40 = arith.constant 0 : i32
        %dma_start3A_41 = tpu.memref_slice %arg9[%dma_start3A_38, %dma_start3A_39, %dma_start3A_40] : memref<2x128x128xf32, #tpu.memory_space<vmem>> -> memref<1x128x128xf32, #tpu.memory_space<vmem>>
        %dma_start3A_42 = tpu.memref_squeeze %dma_start3A_41 : memref<1x128x128xf32, #tpu.memory_space<vmem>> -> memref<128x128xf32, #tpu.memory_space<vmem>>
        %dma_start3A_43 = arith.constant 0 : i32
        %dma_start3A_44 = tpu.memref_slice %arg7[%add3A_37, %dma_start3A_43] : memref<40x128xi32, #tpu.memory_space<vmem>> -> memref<1x128xi32, #tpu.memory_space<vmem>>
        %dma_start3A_45 = tpu.memref_squeeze %dma_start3A_44 : memref<1x128xi32, #tpu.memory_space<vmem>> -> memref<128xi32, #tpu.memory_space<vmem>>
        %dma_start3A_46 = arith.constant 0 : i32
        %dma_start3A_47 = arith.constant 0 : i32
        %dma_start3A_48 = tpu.memref_slice %arg2[%dma_start3A_46, %dma_start3A_47] : memref<10000x128xf32, #tpu.memory_space<hbm>> -> memref<10000x128xf32, #tpu.memory_space<hbm>>
        tpu.enqueue_indirect_dma source(%dma_start3A_48 : memref<10000x128xf32, #tpu.memory_space<hbm>>) target(%dma_start3A_42 : memref<128x128xf32, #tpu.memory_space<vmem>>) offsets(%dma_start3A_45 : memref<128xi32, #tpu.memory_space<vmem>>) semaphore(%arg12 : memref<!tpu.dma_semaphore, #tpu.memory_space<semaphore_mem>>)
        %dma_wait3A = arith.constant 0 : i32
        %dma_wait3A_49 = arith.constant 0 : i32
        %dma_wait3A_50 = arith.constant 0 : i32
        %dma_wait3A_51 = tpu.memref_slice %arg9[%dma_wait3A, %dma_wait3A_49, %dma_wait3A_50] : memref<2x128x128xf32, #tpu.memory_space<vmem>> -> memref<1x128x128xf32, #tpu.memory_space<vmem>>
        %dma_wait3A_52 = tpu.memref_squeeze %dma_wait3A_51 : memref<1x128x128xf32, #tpu.memory_space<vmem>> -> memref<128x128xf32, #tpu.memory_space<vmem>>
        %dma_wait3A_53 = arith.constant 0 : i32
        %dma_wait3A_54 = tpu.memref_slice %arg7[%mul3A_33, %dma_wait3A_53] : memref<40x128xi32, #tpu.memory_space<vmem>> -> memref<1x128xi32, #tpu.memory_space<vmem>>
        %dma_wait3A_55 = tpu.memref_squeeze %dma_wait3A_54 : memref<1x128xi32, #tpu.memory_space<vmem>> -> memref<128xi32, #tpu.memory_space<vmem>>
        %dma_wait3A_56 = arith.constant 0 : i32
        %dma_wait3A_57 = arith.constant 0 : i32
        %dma_wait3A_58 = tpu.memref_slice %arg2[%dma_wait3A_56, %dma_wait3A_57] : memref<10000x128xf32, #tpu.memory_space<hbm>> -> memref<10000x128xf32, #tpu.memory_space<hbm>>
        tpu.wait_indirect_dma semaphore(%arg11 : memref<!tpu.dma_semaphore, #tpu.memory_space<semaphore_mem>>) src(%dma_wait3A_58 : memref<10000x128xf32, #tpu.memory_space<hbm>>) dst(%dma_wait3A_52 : memref<128x128xf32, #tpu.memory_space<vmem>>)
        %run_scoped3A = arith.constant 0 : i32
        "tpu.region"() ({
          %run_scoped3A_75 = tpu.sem_alloc : memref<!tpu.dma_semaphore, #tpu.memory_space<semaphore_mem>>
          %dma_start3A_76 = arith.constant 0 : i32
          %dma_start3A_77 = arith.constant 0 : i32
          %dma_start3A_78 = tpu.memref_slice %arg9[%run_scoped3A, %dma_start3A_76, %dma_start3A_77] : memref<2x128x128xf32, #tpu.memory_space<vmem>> -> memref<1x128x128xf32, #tpu.memory_space<vmem>>
          %dma_start3A_79 = tpu.memref_squeeze %dma_start3A_78 : memref<1x128x128xf32, #tpu.memory_space<vmem>> -> memref<128x128xf32, #tpu.memory_space<vmem>>
          %dma_start3A_80 = arith.constant 0 : i32
          %dma_start3A_81 = tpu.memref_slice %arg8[%mul3A_33, %dma_start3A_80] : memref<40x128xi32, #tpu.memory_space<vmem>> -> memref<1x128xi32, #tpu.memory_space<vmem>>
          %dma_start3A_82 = tpu.memref_squeeze %dma_start3A_81 : memref<1x128xi32, #tpu.memory_space<vmem>> -> memref<128xi32, #tpu.memory_space<vmem>>
          %dma_start3A_83 = arith.constant 0 : i32
          %dma_start3A_84 = arith.constant 0 : i32
          %dma_start3A_85 = tpu.memref_slice %arg10[%dma_start3A_83, %dma_start3A_84] : memref<10240x128xf32, #tpu.memory_space<vmem_shared>> -> memref<10240x128xf32, #tpu.memory_space<vmem_shared>>
          tpu.enqueue_indirect_dma source(%dma_start3A_79 : memref<128x128xf32, #tpu.memory_space<vmem>>) target(%dma_start3A_85 : memref<10240x128xf32, #tpu.memory_space<vmem_shared>>) offsets(%dma_start3A_82 : memref<128xi32, #tpu.memory_space<vmem>>) semaphore(%run_scoped3A_75 : memref<!tpu.dma_semaphore, #tpu.memory_space<semaphore_mem>>) {add = true}
          %dma_wait3A_86 = arith.constant 0 : i32
          %dma_wait3A_87 = arith.constant 0 : i32
          %dma_wait3A_88 = tpu.memref_slice %arg9[%run_scoped3A, %dma_wait3A_86, %dma_wait3A_87] : memref<2x128x128xf32, #tpu.memory_space<vmem>> -> memref<1x128x128xf32, #tpu.memory_space<vmem>>
          %dma_wait3A_89 = tpu.memref_squeeze %dma_wait3A_88 : memref<1x128x128xf32, #tpu.memory_space<vmem>> -> memref<128x128xf32, #tpu.memory_space<vmem>>
          %dma_wait3A_90 = arith.constant 0 : i32
          %dma_wait3A_91 = tpu.memref_slice %arg8[%mul3A_33, %dma_wait3A_90] : memref<40x128xi32, #tpu.memory_space<vmem>> -> memref<1x128xi32, #tpu.memory_space<vmem>>
          %dma_wait3A_92 = tpu.memref_squeeze %dma_wait3A_91 : memref<1x128xi32, #tpu.memory_space<vmem>> -> memref<128xi32, #tpu.memory_space<vmem>>
          %dma_wait3A_93 = arith.constant 0 : i32
          %dma_wait3A_94 = arith.constant 0 : i32
          %dma_wait3A_95 = tpu.memref_slice %arg10[%dma_wait3A_93, %dma_wait3A_94] : memref<10240x128xf32, #tpu.memory_space<vmem_shared>> -> memref<10240x128xf32, #tpu.memory_space<vmem_shared>>
          tpu.wait_indirect_dma semaphore(%run_scoped3A_75 : memref<!tpu.dma_semaphore, #tpu.memory_space<semaphore_mem>>) src(%dma_wait3A_89 : memref<128x128xf32, #tpu.memory_space<vmem>>) dst(%dma_wait3A_95 : memref<10240x128xf32, #tpu.memory_space<vmem_shared>>)
          tpu.yield
        }) : () -> ()
        %add3A_59 = arith.constant 1 : i32
        %add3A_60 = arith.addi %scan3A_31, %add3A_59 : i32
        %lt3A = arith.constant 20 : i32
        %lt3A_61 = arith.cmpi slt, %add3A_60, %lt3A : i32
        %convert_element_type3A = arith.extui %lt3A_61 : i1 to i32
        %cond3A = arith.constant 0 : i32
        %cond3A_62 = arith.cmpi ne, %convert_element_type3A, %cond3A : i32
        scf.if %cond3A_62 {
          %add3A_75 = arith.constant 2 : i32
          %add3A_76 = arith.addi %mul3A_33, %add3A_75 : i32
          %dma_start3A_77 = arith.constant 0 : i32
          %dma_start3A_78 = arith.constant 0 : i32
          %dma_start3A_79 = arith.constant 0 : i32
          %dma_start3A_80 = tpu.memref_slice %arg9[%dma_start3A_77, %dma_start3A_78, %dma_start3A_79] : memref<2x128x128xf32, #tpu.memory_space<vmem>> -> memref<1x128x128xf32, #tpu.memory_space<vmem>>
          %dma_start3A_81 = tpu.memref_squeeze %dma_start3A_80 : memref<1x128x128xf32, #tpu.memory_space<vmem>> -> memref<128x128xf32, #tpu.memory_space<vmem>>
          %dma_start3A_82 = arith.constant 0 : i32
          %dma_start3A_83 = tpu.memref_slice %arg7[%add3A_76, %dma_start3A_82] : memref<40x128xi32, #tpu.memory_space<vmem>> -> memref<1x128xi32, #tpu.memory_space<vmem>>
          %dma_start3A_84 = tpu.memref_squeeze %dma_start3A_83 : memref<1x128xi32, #tpu.memory_space<vmem>> -> memref<128xi32, #tpu.memory_space<vmem>>
          %dma_start3A_85 = arith.constant 0 : i32
          %dma_start3A_86 = arith.constant 0 : i32
          %dma_start3A_87 = tpu.memref_slice %arg2[%dma_start3A_85, %dma_start3A_86] : memref<10000x128xf32, #tpu.memory_space<hbm>> -> memref<10000x128xf32, #tpu.memory_space<hbm>>
          tpu.enqueue_indirect_dma source(%dma_start3A_87 : memref<10000x128xf32, #tpu.memory_space<hbm>>) target(%dma_start3A_81 : memref<128x128xf32, #tpu.memory_space<vmem>>) offsets(%dma_start3A_84 : memref<128xi32, #tpu.memory_space<vmem>>) semaphore(%arg11 : memref<!tpu.dma_semaphore, #tpu.memory_space<semaphore_mem>>)
        } else {
        }
        %dma_wait3A_63 = arith.constant 1 : i32
        %dma_wait3A_64 = arith.constant 0 : i32
        %dma_wait3A_65 = arith.constant 0 : i32
        %dma_wait3A_66 = tpu.memref_slice %arg9[%dma_wait3A_63, %dma_wait3A_64, %dma_wait3A_65] : memref<2x128x128xf32, #tpu.memory_space<vmem>> -> memref<1x128x128xf32, #tpu.memory_space<vmem>>
        %dma_wait3A_67 = tpu.memref_squeeze %dma_wait3A_66 : memref<1x128x128xf32, #tpu.memory_space<vmem>> -> memref<128x128xf32, #tpu.memory_space<vmem>>
        %dma_wait3A_68 = arith.constant 0 : i32
        %dma_wait3A_69 = tpu.memref_slice %arg7[%add3A_37, %dma_wait3A_68] : memref<40x128xi32, #tpu.memory_space<vmem>> -> memref<1x128xi32, #tpu.memory_space<vmem>>
        %dma_wait3A_70 = tpu.memref_squeeze %dma_wait3A_69 : memref<1x128xi32, #tpu.memory_space<vmem>> -> memref<128xi32, #tpu.memory_space<vmem>>
        %dma_wait3A_71 = arith.constant 0 : i32
        %dma_wait3A_72 = arith.constant 0 : i32
        %dma_wait3A_73 = tpu.memref_slice %arg2[%dma_wait3A_71, %dma_wait3A_72] : memref<10000x128xf32, #tpu.memory_space<hbm>> -> memref<10000x128xf32, #tpu.memory_space<hbm>>
        tpu.wait_indirect_dma semaphore(%arg12 : memref<!tpu.dma_semaphore, #tpu.memory_space<semaphore_mem>>) src(%dma_wait3A_73 : memref<10000x128xf32, #tpu.memory_space<hbm>>) dst(%dma_wait3A_67 : memref<128x128xf32, #tpu.memory_space<vmem>>)
        %run_scoped3A_74 = arith.constant 1 : i32
        "tpu.region"() ({
          %run_scoped3A_75 = tpu.sem_alloc : memref<!tpu.dma_semaphore, #tpu.memory_space<semaphore_mem>>
          %dma_start3A_76 = arith.constant 0 : i32
          %dma_start3A_77 = arith.constant 0 : i32
          %dma_start3A_78 = tpu.memref_slice %arg9[%run_scoped3A_74, %dma_start3A_76, %dma_start3A_77] : memref<2x128x128xf32, #tpu.memory_space<vmem>> -> memref<1x128x128xf32, #tpu.memory_space<vmem>>
          %dma_start3A_79 = tpu.memref_squeeze %dma_start3A_78 : memref<1x128x128xf32, #tpu.memory_space<vmem>> -> memref<128x128xf32, #tpu.memory_space<vmem>>
          %dma_start3A_80 = arith.constant 0 : i32
          %dma_start3A_81 = tpu.memref_slice %arg8[%add3A_37, %dma_start3A_80] : memref<40x128xi32, #tpu.memory_space<vmem>> -> memref<1x128xi32, #tpu.memory_space<vmem>>
          %dma_start3A_82 = tpu.memref_squeeze %dma_start3A_81 : memref<1x128xi32, #tpu.memory_space<vmem>> -> memref<128xi32, #tpu.memory_space<vmem>>
          %dma_start3A_83 = arith.constant 0 : i32
          %dma_start3A_84 = arith.constant 0 : i32
          %dma_start3A_85 = tpu.memref_slice %arg10[%dma_start3A_83, %dma_start3A_84] : memref<10240x128xf32, #tpu.memory_space<vmem_shared>> -> memref<10240x128xf32, #tpu.memory_space<vmem_shared>>
          tpu.enqueue_indirect_dma source(%dma_start3A_79 : memref<128x128xf32, #tpu.memory_space<vmem>>) target(%dma_start3A_85 : memref<10240x128xf32, #tpu.memory_space<vmem_shared>>) offsets(%dma_start3A_82 : memref<128xi32, #tpu.memory_space<vmem>>) semaphore(%run_scoped3A_75 : memref<!tpu.dma_semaphore, #tpu.memory_space<semaphore_mem>>) {add = true}
          %dma_wait3A_86 = arith.constant 0 : i32
          %dma_wait3A_87 = arith.constant 0 : i32
          %dma_wait3A_88 = tpu.memref_slice %arg9[%run_scoped3A_74, %dma_wait3A_86, %dma_wait3A_87] : memref<2x128x128xf32, #tpu.memory_space<vmem>> -> memref<1x128x128xf32, #tpu.memory_space<vmem>>
          %dma_wait3A_89 = tpu.memref_squeeze %dma_wait3A_88 : memref<1x128x128xf32, #tpu.memory_space<vmem>> -> memref<128x128xf32, #tpu.memory_space<vmem>>
          %dma_wait3A_90 = arith.constant 0 : i32
          %dma_wait3A_91 = tpu.memref_slice %arg8[%add3A_37, %dma_wait3A_90] : memref<40x128xi32, #tpu.memory_space<vmem>> -> memref<1x128xi32, #tpu.memory_space<vmem>>
          %dma_wait3A_92 = tpu.memref_squeeze %dma_wait3A_91 : memref<1x128xi32, #tpu.memory_space<vmem>> -> memref<128xi32, #tpu.memory_space<vmem>>
          %dma_wait3A_93 = arith.constant 0 : i32
          %dma_wait3A_94 = arith.constant 0 : i32
          %dma_wait3A_95 = tpu.memref_slice %arg10[%dma_wait3A_93, %dma_wait3A_94] : memref<10240x128xf32, #tpu.memory_space<vmem_shared>> -> memref<10240x128xf32, #tpu.memory_space<vmem_shared>>
          tpu.wait_indirect_dma semaphore(%run_scoped3A_75 : memref<!tpu.dma_semaphore, #tpu.memory_space<semaphore_mem>>) src(%dma_wait3A_89 : memref<128x128xf32, #tpu.memory_space<vmem>>) dst(%dma_wait3A_95 : memref<10240x128xf32, #tpu.memory_space<vmem_shared>>)
          tpu.yield
        }) : () -> ()
      }
      %scan3A_30 = arith.constant 20 : i32
    }
    %scan3A_7 = arith.constant 2 : i32
    %barrier3A_8 = arith.constant 0 : index
    tpu.barrier barrier_id(%barrier3A_8)
    "tpu.region"() ({
      %run_scoped3A = tpu.sem_alloc : memref<!tpu.dma_semaphore, #tpu.memory_space<semaphore_mem>>
      %dma_start3A = arith.constant 0 : i32
      %dma_start3A_9 = tpu.memref_slice %arg6[%arg0, %mul3A_2, %dma_start3A] : memref<2x10240x128xf32, #tpu.memory_space<hbm>> -> memref<1x640x128xf32, #tpu.memory_space<hbm>>
      %dma_start3A_10 = tpu.memref_squeeze %dma_start3A_9 : memref<1x640x128xf32, #tpu.memory_space<hbm>> -> memref<640x128xf32, #tpu.memory_space<hbm>>
      %dma_start3A_11 = arith.constant 0 : i32
      %dma_start3A_12 = tpu.memref_slice %arg10[%mul3A_2, %dma_start3A_11] : memref<10240x128xf32, #tpu.memory_space<vmem_shared>> -> memref<640x128xf32, #tpu.memory_space<vmem_shared>>
      tpu.enqueue_dma source(%dma_start3A_12 : memref<640x128xf32, #tpu.memory_space<vmem_shared>>) target(%dma_start3A_10 : memref<640x128xf32, #tpu.memory_space<hbm>>) target_semaphore(%run_scoped3A : memref<!tpu.dma_semaphore, #tpu.memory_space<semaphore_mem>>)
      %dma_wait3A = arith.constant 0 : i32
      %dma_wait3A_13 = tpu.memref_slice %arg6[%arg0, %mul3A_2, %dma_wait3A] : memref<2x10240x128xf32, #tpu.memory_space<hbm>> -> memref<1x640x128xf32, #tpu.memory_space<hbm>>
      %dma_wait3A_14 = tpu.memref_squeeze %dma_wait3A_13 : memref<1x640x128xf32, #tpu.memory_space<hbm>> -> memref<640x128xf32, #tpu.memory_space<hbm>>
      %dma_wait3A_15 = arith.constant 0 : i32
      %dma_wait3A_16 = tpu.memref_slice %arg10[%mul3A_2, %dma_wait3A_15] : memref<10240x128xf32, #tpu.memory_space<vmem_shared>> -> memref<640x128xf32, #tpu.memory_space<vmem_shared>>
      tpu.wait_dma2 semaphore(%run_scoped3A : memref<!tpu.dma_semaphore, #tpu.memory_space<semaphore_mem>>) src(%dma_wait3A_16 : memref<640x128xf32, #tpu.memory_space<vmem_shared>>) dst(%dma_wait3A_14 : memref<640x128xf32, #tpu.memory_space<hbm>>)
      tpu.yield
    }) : () -> ()
    return
  }
}

#map = affine_map<(d0, d1) -> (0, 0, 0)>
#map1 = affine_map<(d0, d1) -> (0)>
module attributes {stable_mosaic.version = 14 : i64} {
  func.func @deg_kernel(%arg0: i32, %arg1: i32, %arg2: memref<32x80x128xi32, #tpu.memory_space<hbm>>, %arg3: memref<10240xf32, #tpu.memory_space<hbm>>, %arg4: memref<128xf32, #tpu.memory_space<hbm>>, %arg5: memref<2x10240x16xf32, #tpu.memory_space<hbm>>, %arg6: memref<80x128xi32, #tpu.memory_space<vmem>>, %arg7: memref<128xf32, #tpu.memory_space<vmem>>, %arg8: memref<640xf32, #tpu.memory_space<vmem>>, %arg9: memref<640x16xf32, #tpu.memory_space<vmem>>, %arg10: memref<10240xf32, #tpu.memory_space<vmem_shared>>) attributes {dimension_semantics = [#tpu.dimension_semantics<core_parallel>, #tpu.dimension_semantics<subcore_parallel>], iteration_bounds = array<i64: 2, 16>, scalar_prefetch = 0 : i64, scratch_operands = 5 : i64, tpu.core_type = #tpu.core_type<sc_vector_subcore>, window_params = [{transform_indices = #map}, {transform_indices = #map1}, {transform_indices = #map1}, {transform_indices = #map}]} {
    %mul3A = arith.constant 2 : i32
    %mul3A_0 = arith.muli %arg1, %mul3A : i32
    %add3A = arith.addi %mul3A_0, %arg0 : i32
    %mul3A_1 = arith.constant 640 : i32
    %mul3A_2 = arith.muli %arg1, %mul3A_1 : i32
    "tpu.region"() ({
      %run_scoped3A = tpu.sem_alloc : memref<!tpu.dma_semaphore, #tpu.memory_space<semaphore_mem>>
      %dma_start3A = tpu.memref_slice %arg10[%mul3A_2] : memref<10240xf32, #tpu.memory_space<vmem_shared>> -> memref<640xf32, #tpu.memory_space<vmem_shared>>
      %dma_start3A_15 = tpu.memref_slice %arg3[%mul3A_2] : memref<10240xf32, #tpu.memory_space<hbm>> -> memref<640xf32, #tpu.memory_space<hbm>>
      tpu.enqueue_dma source(%dma_start3A_15 : memref<640xf32, #tpu.memory_space<hbm>>) target(%dma_start3A : memref<640xf32, #tpu.memory_space<vmem_shared>>) target_semaphore(%run_scoped3A : memref<!tpu.dma_semaphore, #tpu.memory_space<semaphore_mem>>)
      %dma_wait3A = tpu.memref_slice %arg10[%mul3A_2] : memref<10240xf32, #tpu.memory_space<vmem_shared>> -> memref<640xf32, #tpu.memory_space<vmem_shared>>
      %dma_wait3A_16 = tpu.memref_slice %arg3[%mul3A_2] : memref<10240xf32, #tpu.memory_space<hbm>> -> memref<640xf32, #tpu.memory_space<hbm>>
      tpu.wait_dma2 semaphore(%run_scoped3A : memref<!tpu.dma_semaphore, #tpu.memory_space<semaphore_mem>>) src(%dma_wait3A_16 : memref<640xf32, #tpu.memory_space<hbm>>) dst(%dma_wait3A : memref<640xf32, #tpu.memory_space<vmem_shared>>)
      tpu.yield
    }) : () -> ()
    "tpu.region"() ({
      %run_scoped3A = tpu.sem_alloc : memref<!tpu.dma_semaphore, #tpu.memory_space<semaphore_mem>>
      %dma_start3A = arith.constant 0 : i32
      %dma_start3A_15 = arith.constant 0 : i32
      %dma_start3A_16 = tpu.memref_slice %arg2[%add3A, %dma_start3A, %dma_start3A_15] : memref<32x80x128xi32, #tpu.memory_space<hbm>> -> memref<1x80x128xi32, #tpu.memory_space<hbm>>
      %dma_start3A_17 = tpu.memref_squeeze %dma_start3A_16 : memref<1x80x128xi32, #tpu.memory_space<hbm>> -> memref<80x128xi32, #tpu.memory_space<hbm>>
      %dma_start3A_18 = arith.constant 0 : i32
      %dma_start3A_19 = arith.constant 0 : i32
      %dma_start3A_20 = tpu.memref_slice %arg2[%add3A, %dma_start3A_18, %dma_start3A_19] : memref<32x80x128xi32, #tpu.memory_space<hbm>> -> memref<1x80x128xi32, #tpu.memory_space<hbm>>
      %dma_start3A_21 = tpu.memref_squeeze %dma_start3A_20 : memref<1x80x128xi32, #tpu.memory_space<hbm>> -> memref<80x128xi32, #tpu.memory_space<hbm>>
      tpu.enqueue_dma source(%dma_start3A_21 : memref<80x128xi32, #tpu.memory_space<hbm>>) target(%arg6 : memref<80x128xi32, #tpu.memory_space<vmem>>) target_semaphore(%run_scoped3A : memref<!tpu.dma_semaphore, #tpu.memory_space<semaphore_mem>>)
      %dma_wait3A = arith.constant 0 : i32
      %dma_wait3A_22 = arith.constant 0 : i32
      %dma_wait3A_23 = tpu.memref_slice %arg2[%add3A, %dma_wait3A, %dma_wait3A_22] : memref<32x80x128xi32, #tpu.memory_space<hbm>> -> memref<1x80x128xi32, #tpu.memory_space<hbm>>
      %dma_wait3A_24 = tpu.memref_squeeze %dma_wait3A_23 : memref<1x80x128xi32, #tpu.memory_space<hbm>> -> memref<80x128xi32, #tpu.memory_space<hbm>>
      %dma_wait3A_25 = arith.constant 0 : i32
      %dma_wait3A_26 = arith.constant 0 : i32
      %dma_wait3A_27 = tpu.memref_slice %arg2[%add3A, %dma_wait3A_25, %dma_wait3A_26] : memref<32x80x128xi32, #tpu.memory_space<hbm>> -> memref<1x80x128xi32, #tpu.memory_space<hbm>>
      %dma_wait3A_28 = tpu.memref_squeeze %dma_wait3A_27 : memref<1x80x128xi32, #tpu.memory_space<hbm>> -> memref<80x128xi32, #tpu.memory_space<hbm>>
      tpu.wait_dma2 semaphore(%run_scoped3A : memref<!tpu.dma_semaphore, #tpu.memory_space<semaphore_mem>>) src(%dma_wait3A_28 : memref<80x128xi32, #tpu.memory_space<hbm>>) dst(%arg6 : memref<80x128xi32, #tpu.memory_space<vmem>>)
      tpu.yield
    }) : () -> ()
    "tpu.region"() ({
      %run_scoped3A = tpu.sem_alloc : memref<!tpu.dma_semaphore, #tpu.memory_space<semaphore_mem>>
      tpu.enqueue_dma source(%arg4 : memref<128xf32, #tpu.memory_space<hbm>>) target(%arg7 : memref<128xf32, #tpu.memory_space<vmem>>) target_semaphore(%run_scoped3A : memref<!tpu.dma_semaphore, #tpu.memory_space<semaphore_mem>>)
      tpu.wait_dma2 semaphore(%run_scoped3A : memref<!tpu.dma_semaphore, #tpu.memory_space<semaphore_mem>>) src(%arg4 : memref<128xf32, #tpu.memory_space<hbm>>) dst(%arg7 : memref<128xf32, #tpu.memory_space<vmem>>)
      tpu.yield
    }) : () -> ()
    %barrier3A = arith.constant 0 : index
    tpu.barrier barrier_id(%barrier3A)
    %scan3A = arith.constant 0 : i32
    %scan3A_3 = arith.constant 0 : i32
    %scan3A_4 = arith.constant 80 : i32
    %scan3A_5 = arith.addi %scan3A_3, %scan3A_4 : i32
    %scan3A_6 = arith.constant 1 : i32
    scf.for %scan3A_15 = %scan3A_3 to %scan3A_5 step %scan3A_6  : i32 {
      "tpu.region"() ({
        %run_scoped3A = tpu.sem_alloc : memref<!tpu.dma_semaphore, #tpu.memory_space<semaphore_mem>>
        %dma_start3A = arith.constant 0 : i32
        %dma_start3A_16 = tpu.memref_slice %arg6[%scan3A_15, %dma_start3A] : memref<80x128xi32, #tpu.memory_space<vmem>> -> memref<1x128xi32, #tpu.memory_space<vmem>>
        %dma_start3A_17 = tpu.memref_squeeze %dma_start3A_16 : memref<1x128xi32, #tpu.memory_space<vmem>> -> memref<128xi32, #tpu.memory_space<vmem>>
        %dma_start3A_18 = arith.constant 0 : i32
        %dma_start3A_19 = tpu.memref_slice %arg10[%dma_start3A_18] : memref<10240xf32, #tpu.memory_space<vmem_shared>> -> memref<10240xf32, #tpu.memory_space<vmem_shared>>
        tpu.enqueue_indirect_dma source(%arg7 : memref<128xf32, #tpu.memory_space<vmem>>) target(%dma_start3A_19 : memref<10240xf32, #tpu.memory_space<vmem_shared>>) offsets(%dma_start3A_17 : memref<128xi32, #tpu.memory_space<vmem>>) semaphore(%run_scoped3A : memref<!tpu.dma_semaphore, #tpu.memory_space<semaphore_mem>>) {add = true}
        %dma_wait3A = arith.constant 0 : i32
        %dma_wait3A_20 = tpu.memref_slice %arg6[%scan3A_15, %dma_wait3A] : memref<80x128xi32, #tpu.memory_space<vmem>> -> memref<1x128xi32, #tpu.memory_space<vmem>>
        %dma_wait3A_21 = tpu.memref_squeeze %dma_wait3A_20 : memref<1x128xi32, #tpu.memory_space<vmem>> -> memref<128xi32, #tpu.memory_space<vmem>>
        %dma_wait3A_22 = arith.constant 0 : i32
        %dma_wait3A_23 = tpu.memref_slice %arg10[%dma_wait3A_22] : memref<10240xf32, #tpu.memory_space<vmem_shared>> -> memref<10240xf32, #tpu.memory_space<vmem_shared>>
        tpu.wait_indirect_dma semaphore(%run_scoped3A : memref<!tpu.dma_semaphore, #tpu.memory_space<semaphore_mem>>) src(%arg7 : memref<128xf32, #tpu.memory_space<vmem>>) dst(%dma_wait3A_23 : memref<10240xf32, #tpu.memory_space<vmem_shared>>)
        tpu.yield
      }) : () -> ()
    }
    %scan3A_7 = arith.constant 80 : i32
    %barrier3A_8 = arith.constant 0 : index
    tpu.barrier barrier_id(%barrier3A_8)
    "tpu.region"() ({
      %run_scoped3A = tpu.sem_alloc : memref<!tpu.dma_semaphore, #tpu.memory_space<semaphore_mem>>
      %dma_start3A = tpu.memref_slice %arg10[%mul3A_2] : memref<10240xf32, #tpu.memory_space<vmem_shared>> -> memref<640xf32, #tpu.memory_space<vmem_shared>>
      %dma_start3A_15 = tpu.memref_slice %arg10[%mul3A_2] : memref<10240xf32, #tpu.memory_space<vmem_shared>> -> memref<640xf32, #tpu.memory_space<vmem_shared>>
      tpu.enqueue_dma source(%dma_start3A_15 : memref<640xf32, #tpu.memory_space<vmem_shared>>) target(%arg8 : memref<640xf32, #tpu.memory_space<vmem>>) target_semaphore(%run_scoped3A : memref<!tpu.dma_semaphore, #tpu.memory_space<semaphore_mem>>)
      %dma_wait3A = tpu.memref_slice %arg10[%mul3A_2] : memref<10240xf32, #tpu.memory_space<vmem_shared>> -> memref<640xf32, #tpu.memory_space<vmem_shared>>
      %dma_wait3A_16 = tpu.memref_slice %arg10[%mul3A_2] : memref<10240xf32, #tpu.memory_space<vmem_shared>> -> memref<640xf32, #tpu.memory_space<vmem_shared>>
      tpu.wait_dma2 semaphore(%run_scoped3A : memref<!tpu.dma_semaphore, #tpu.memory_space<semaphore_mem>>) src(%dma_wait3A_16 : memref<640xf32, #tpu.memory_space<vmem_shared>>) dst(%arg8 : memref<640xf32, #tpu.memory_space<vmem>>)
      tpu.yield
    }) : () -> ()
    %scan3A_9 = arith.constant 0 : i32
    %scan3A_10 = arith.constant 0 : i32
    %scan3A_11 = arith.constant 40 : i32
    %scan3A_12 = arith.addi %scan3A_10, %scan3A_11 : i32
    %scan3A_13 = arith.constant 1 : i32
    scf.for %scan3A_15 = %scan3A_10 to %scan3A_12 step %scan3A_13  : i32 {
      %mul3A_16 = arith.constant 16 : i32
      %mul3A_17 = arith.muli %scan3A_15, %mul3A_16 : i32
      %get3A = arith.index_cast %mul3A_17 : i32 to index
      %get3A_18 = tpu.vector_load %arg8[%get3A] {strides = array<i32>} : memref<640xf32, #tpu.memory_space<vmem>>, vector<16xf32>,
      %get3A_19 = vector.shape_cast %get3A_18 : vector<16xf32> to vector<16xf32>
      %slice3A = vector.extract_strided_slice %get3A_19 {offsets = [0], sizes = [1], strides = [1]} : vector<16xf32> to vector<1xf32>
      %squeeze3A = vector.extract %slice3A[0] : f32 from vector<1xf32>
      %broadcast_in_dim3A = vector.broadcast %squeeze3A : f32 to vector<16xf32>
      %mul3A_20 = arith.constant 16 : i32
      %mul3A_21 = arith.muli %scan3A_15, %mul3A_20 : i32
      %add3A_22 = arith.constant 0 : i32
      %add3A_23 = arith.addi %mul3A_21, %add3A_22 : i32
      %swap3A = arith.index_cast %add3A_23 : i32 to index
      %swap3A_24 = arith.constant 0 : index
      %swap3A_25 = tpu.vector_load %arg9[%swap3A, %swap3A_24] {strides = array<i32>} : memref<640x16xf32, #tpu.memory_space<vmem>>, vector<1x16xf32>,
      %swap3A_26 = vector.shape_cast %swap3A_25 : vector<1x16xf32> to vector<16xf32>
      %swap3A_27 = vector.shape_cast %broadcast_in_dim3A : vector<16xf32> to vector<1x16xf32>
      tpu.vector_store %arg9[%swap3A, %swap3A_24], %swap3A_27 {strides = array<i32>} : memref<640x16xf32, #tpu.memory_space<vmem>>, vector<1x16xf32>,
      %slice3A_28 = vector.extract_strided_slice %get3A_19 {offsets = [1], sizes = [1], strides = [1]} : vector<16xf32> to vector<1xf32>
      %squeeze3A_29 = vector.extract %slice3A_28[0] : f32 from vector<1xf32>
      %broadcast_in_dim3A_30 = vector.broadcast %squeeze3A_29 : f32 to vector<16xf32>
      %mul3A_31 = arith.constant 16 : i32
      %mul3A_32 = arith.muli %scan3A_15, %mul3A_31 : i32
      %add3A_33 = arith.constant 1 : i32
      %add3A_34 = arith.addi %mul3A_32, %add3A_33 : i32
      %swap3A_35 = arith.index_cast %add3A_34 : i32 to index
      %swap3A_36 = arith.constant 0 : index
      %swap3A_37 = tpu.vector_load %arg9[%swap3A_35, %swap3A_36] {strides = array<i32>} : memref<640x16xf32, #tpu.memory_space<vmem>>, vector<1x16xf32>,
      %swap3A_38 = vector.shape_cast %swap3A_37 : vector<1x16xf32> to vector<16xf32>
      %swap3A_39 = vector.shape_cast %broadcast_in_dim3A_30 : vector<16xf32> to vector<1x16xf32>
      tpu.vector_store %arg9[%swap3A_35, %swap3A_36], %swap3A_39 {strides = array<i32>} : memref<640x16xf32, #tpu.memory_space<vmem>>, vector<1x16xf32>,
      %slice3A_40 = vector.extract_strided_slice %get3A_19 {offsets = [2], sizes = [1], strides = [1]} : vector<16xf32> to vector<1xf32>
      %squeeze3A_41 = vector.extract %slice3A_40[0] : f32 from vector<1xf32>
      %broadcast_in_dim3A_42 = vector.broadcast %squeeze3A_41 : f32 to vector<16xf32>
      %mul3A_43 = arith.constant 16 : i32
      %mul3A_44 = arith.muli %scan3A_15, %mul3A_43 : i32
      %add3A_45 = arith.constant 2 : i32
      %add3A_46 = arith.addi %mul3A_44, %add3A_45 : i32
      %swap3A_47 = arith.index_cast %add3A_46 : i32 to index
      %swap3A_48 = arith.constant 0 : index
      %swap3A_49 = tpu.vector_load %arg9[%swap3A_47, %swap3A_48] {strides = array<i32>} : memref<640x16xf32, #tpu.memory_space<vmem>>, vector<1x16xf32>,
      %swap3A_50 = vector.shape_cast %swap3A_49 : vector<1x16xf32> to vector<16xf32>
      %swap3A_51 = vector.shape_cast %broadcast_in_dim3A_42 : vector<16xf32> to vector<1x16xf32>
      tpu.vector_store %arg9[%swap3A_47, %swap3A_48], %swap3A_51 {strides = array<i32>} : memref<640x16xf32, #tpu.memory_space<vmem>>, vector<1x16xf32>,
      %slice3A_52 = vector.extract_strided_slice %get3A_19 {offsets = [3], sizes = [1], strides = [1]} : vector<16xf32> to vector<1xf32>
      %squeeze3A_53 = vector.extract %slice3A_52[0] : f32 from vector<1xf32>
      %broadcast_in_dim3A_54 = vector.broadcast %squeeze3A_53 : f32 to vector<16xf32>
      %mul3A_55 = arith.constant 16 : i32
      %mul3A_56 = arith.muli %scan3A_15, %mul3A_55 : i32
      %add3A_57 = arith.constant 3 : i32
      %add3A_58 = arith.addi %mul3A_56, %add3A_57 : i32
      %swap3A_59 = arith.index_cast %add3A_58 : i32 to index
      %swap3A_60 = arith.constant 0 : index
      %swap3A_61 = tpu.vector_load %arg9[%swap3A_59, %swap3A_60] {strides = array<i32>} : memref<640x16xf32, #tpu.memory_space<vmem>>, vector<1x16xf32>,
      %swap3A_62 = vector.shape_cast %swap3A_61 : vector<1x16xf32> to vector<16xf32>
      %swap3A_63 = vector.shape_cast %broadcast_in_dim3A_54 : vector<16xf32> to vector<1x16xf32>
      tpu.vector_store %arg9[%swap3A_59, %swap3A_60], %swap3A_63 {strides = array<i32>} : memref<640x16xf32, #tpu.memory_space<vmem>>, vector<1x16xf32>,
      %slice3A_64 = vector.extract_strided_slice %get3A_19 {offsets = [4], sizes = [1], strides = [1]} : vector<16xf32> to vector<1xf32>
      %squeeze3A_65 = vector.extract %slice3A_64[0] : f32 from vector<1xf32>
      %broadcast_in_dim3A_66 = vector.broadcast %squeeze3A_65 : f32 to vector<16xf32>
      %mul3A_67 = arith.constant 16 : i32
      %mul3A_68 = arith.muli %scan3A_15, %mul3A_67 : i32
      %add3A_69 = arith.constant 4 : i32
      %add3A_70 = arith.addi %mul3A_68, %add3A_69 : i32
      %swap3A_71 = arith.index_cast %add3A_70 : i32 to index
      %swap3A_72 = arith.constant 0 : index
      %swap3A_73 = tpu.vector_load %arg9[%swap3A_71, %swap3A_72] {strides = array<i32>} : memref<640x16xf32, #tpu.memory_space<vmem>>, vector<1x16xf32>,
      %swap3A_74 = vector.shape_cast %swap3A_73 : vector<1x16xf32> to vector<16xf32>
      %swap3A_75 = vector.shape_cast %broadcast_in_dim3A_66 : vector<16xf32> to vector<1x16xf32>
      tpu.vector_store %arg9[%swap3A_71, %swap3A_72], %swap3A_75 {strides = array<i32>} : memref<640x16xf32, #tpu.memory_space<vmem>>, vector<1x16xf32>,
      %slice3A_76 = vector.extract_strided_slice %get3A_19 {offsets = [5], sizes = [1], strides = [1]} : vector<16xf32> to vector<1xf32>
      %squeeze3A_77 = vector.extract %slice3A_76[0] : f32 from vector<1xf32>
      %broadcast_in_dim3A_78 = vector.broadcast %squeeze3A_77 : f32 to vector<16xf32>
      %mul3A_79 = arith.constant 16 : i32
      %mul3A_80 = arith.muli %scan3A_15, %mul3A_79 : i32
      %add3A_81 = arith.constant 5 : i32
      %add3A_82 = arith.addi %mul3A_80, %add3A_81 : i32
      %swap3A_83 = arith.index_cast %add3A_82 : i32 to index
      %swap3A_84 = arith.constant 0 : index
      %swap3A_85 = tpu.vector_load %arg9[%swap3A_83, %swap3A_84] {strides = array<i32>} : memref<640x16xf32, #tpu.memory_space<vmem>>, vector<1x16xf32>,
      %swap3A_86 = vector.shape_cast %swap3A_85 : vector<1x16xf32> to vector<16xf32>
      %swap3A_87 = vector.shape_cast %broadcast_in_dim3A_78 : vector<16xf32> to vector<1x16xf32>
      tpu.vector_store %arg9[%swap3A_83, %swap3A_84], %swap3A_87 {strides = array<i32>} : memref<640x16xf32, #tpu.memory_space<vmem>>, vector<1x16xf32>,
      %slice3A_88 = vector.extract_strided_slice %get3A_19 {offsets = [6], sizes = [1], strides = [1]} : vector<16xf32> to vector<1xf32>
      %squeeze3A_89 = vector.extract %slice3A_88[0] : f32 from vector<1xf32>
      %broadcast_in_dim3A_90 = vector.broadcast %squeeze3A_89 : f32 to vector<16xf32>
      %mul3A_91 = arith.constant 16 : i32
      %mul3A_92 = arith.muli %scan3A_15, %mul3A_91 : i32
      %add3A_93 = arith.constant 6 : i32
      %add3A_94 = arith.addi %mul3A_92, %add3A_93 : i32
      %swap3A_95 = arith.index_cast %add3A_94 : i32 to index
      %swap3A_96 = arith.constant 0 : index
      %swap3A_97 = tpu.vector_load %arg9[%swap3A_95, %swap3A_96] {strides = array<i32>} : memref<640x16xf32, #tpu.memory_space<vmem>>, vector<1x16xf32>,
      %swap3A_98 = vector.shape_cast %swap3A_97 : vector<1x16xf32> to vector<16xf32>
      %swap3A_99 = vector.shape_cast %broadcast_in_dim3A_90 : vector<16xf32> to vector<1x16xf32>
      tpu.vector_store %arg9[%swap3A_95, %swap3A_96], %swap3A_99 {strides = array<i32>} : memref<640x16xf32, #tpu.memory_space<vmem>>, vector<1x16xf32>,
      %slice3A_100 = vector.extract_strided_slice %get3A_19 {offsets = [7], sizes = [1], strides = [1]} : vector<16xf32> to vector<1xf32>
      %squeeze3A_101 = vector.extract %slice3A_100[0] : f32 from vector<1xf32>
      %broadcast_in_dim3A_102 = vector.broadcast %squeeze3A_101 : f32 to vector<16xf32>
      %mul3A_103 = arith.constant 16 : i32
      %mul3A_104 = arith.muli %scan3A_15, %mul3A_103 : i32
      %add3A_105 = arith.constant 7 : i32
      %add3A_106 = arith.addi %mul3A_104, %add3A_105 : i32
      %swap3A_107 = arith.index_cast %add3A_106 : i32 to index
      %swap3A_108 = arith.constant 0 : index
      %swap3A_109 = tpu.vector_load %arg9[%swap3A_107, %swap3A_108] {strides = array<i32>} : memref<640x16xf32, #tpu.memory_space<vmem>>, vector<1x16xf32>,
      %swap3A_110 = vector.shape_cast %swap3A_109 : vector<1x16xf32> to vector<16xf32>
      %swap3A_111 = vector.shape_cast %broadcast_in_dim3A_102 : vector<16xf32> to vector<1x16xf32>
      tpu.vector_store %arg9[%swap3A_107, %swap3A_108], %swap3A_111 {strides = array<i32>} : memref<640x16xf32, #tpu.memory_space<vmem>>, vector<1x16xf32>,
      %slice3A_112 = vector.extract_strided_slice %get3A_19 {offsets = [8], sizes = [1], strides = [1]} : vector<16xf32> to vector<1xf32>
      %squeeze3A_113 = vector.extract %slice3A_112[0] : f32 from vector<1xf32>
      %broadcast_in_dim3A_114 = vector.broadcast %squeeze3A_113 : f32 to vector<16xf32>
      %mul3A_115 = arith.constant 16 : i32
      %mul3A_116 = arith.muli %scan3A_15, %mul3A_115 : i32
      %add3A_117 = arith.constant 8 : i32
      %add3A_118 = arith.addi %mul3A_116, %add3A_117 : i32
      %swap3A_119 = arith.index_cast %add3A_118 : i32 to index
      %swap3A_120 = arith.constant 0 : index
      %swap3A_121 = tpu.vector_load %arg9[%swap3A_119, %swap3A_120] {strides = array<i32>} : memref<640x16xf32, #tpu.memory_space<vmem>>, vector<1x16xf32>,
      %swap3A_122 = vector.shape_cast %swap3A_121 : vector<1x16xf32> to vector<16xf32>
      %swap3A_123 = vector.shape_cast %broadcast_in_dim3A_114 : vector<16xf32> to vector<1x16xf32>
      tpu.vector_store %arg9[%swap3A_119, %swap3A_120], %swap3A_123 {strides = array<i32>} : memref<640x16xf32, #tpu.memory_space<vmem>>, vector<1x16xf32>,
      %slice3A_124 = vector.extract_strided_slice %get3A_19 {offsets = [9], sizes = [1], strides = [1]} : vector<16xf32> to vector<1xf32>
      %squeeze3A_125 = vector.extract %slice3A_124[0] : f32 from vector<1xf32>
      %broadcast_in_dim3A_126 = vector.broadcast %squeeze3A_125 : f32 to vector<16xf32>
      %mul3A_127 = arith.constant 16 : i32
      %mul3A_128 = arith.muli %scan3A_15, %mul3A_127 : i32
      %add3A_129 = arith.constant 9 : i32
      %add3A_130 = arith.addi %mul3A_128, %add3A_129 : i32
      %swap3A_131 = arith.index_cast %add3A_130 : i32 to index
      %swap3A_132 = arith.constant 0 : index
      %swap3A_133 = tpu.vector_load %arg9[%swap3A_131, %swap3A_132] {strides = array<i32>} : memref<640x16xf32, #tpu.memory_space<vmem>>, vector<1x16xf32>,
      %swap3A_134 = vector.shape_cast %swap3A_133 : vector<1x16xf32> to vector<16xf32>
      %swap3A_135 = vector.shape_cast %broadcast_in_dim3A_126 : vector<16xf32> to vector<1x16xf32>
      tpu.vector_store %arg9[%swap3A_131, %swap3A_132], %swap3A_135 {strides = array<i32>} : memref<640x16xf32, #tpu.memory_space<vmem>>, vector<1x16xf32>,
      %slice3A_136 = vector.extract_strided_slice %get3A_19 {offsets = [10], sizes = [1], strides = [1]} : vector<16xf32> to vector<1xf32>
      %squeeze3A_137 = vector.extract %slice3A_136[0] : f32 from vector<1xf32>
      %broadcast_in_dim3A_138 = vector.broadcast %squeeze3A_137 : f32 to vector<16xf32>
      %mul3A_139 = arith.constant 16 : i32
      %mul3A_140 = arith.muli %scan3A_15, %mul3A_139 : i32
      %add3A_141 = arith.constant 10 : i32
      %add3A_142 = arith.addi %mul3A_140, %add3A_141 : i32
      %swap3A_143 = arith.index_cast %add3A_142 : i32 to index
      %swap3A_144 = arith.constant 0 : index
      %swap3A_145 = tpu.vector_load %arg9[%swap3A_143, %swap3A_144] {strides = array<i32>} : memref<640x16xf32, #tpu.memory_space<vmem>>, vector<1x16xf32>,
      %swap3A_146 = vector.shape_cast %swap3A_145 : vector<1x16xf32> to vector<16xf32>
      %swap3A_147 = vector.shape_cast %broadcast_in_dim3A_138 : vector<16xf32> to vector<1x16xf32>
      tpu.vector_store %arg9[%swap3A_143, %swap3A_144], %swap3A_147 {strides = array<i32>} : memref<640x16xf32, #tpu.memory_space<vmem>>, vector<1x16xf32>,
      %slice3A_148 = vector.extract_strided_slice %get3A_19 {offsets = [11], sizes = [1], strides = [1]} : vector<16xf32> to vector<1xf32>
      %squeeze3A_149 = vector.extract %slice3A_148[0] : f32 from vector<1xf32>
      %broadcast_in_dim3A_150 = vector.broadcast %squeeze3A_149 : f32 to vector<16xf32>
      %mul3A_151 = arith.constant 16 : i32
      %mul3A_152 = arith.muli %scan3A_15, %mul3A_151 : i32
      %add3A_153 = arith.constant 11 : i32
      %add3A_154 = arith.addi %mul3A_152, %add3A_153 : i32
      %swap3A_155 = arith.index_cast %add3A_154 : i32 to index
      %swap3A_156 = arith.constant 0 : index
      %swap3A_157 = tpu.vector_load %arg9[%swap3A_155, %swap3A_156] {strides = array<i32>} : memref<640x16xf32, #tpu.memory_space<vmem>>, vector<1x16xf32>,
      %swap3A_158 = vector.shape_cast %swap3A_157 : vector<1x16xf32> to vector<16xf32>
      %swap3A_159 = vector.shape_cast %broadcast_in_dim3A_150 : vector<16xf32> to vector<1x16xf32>
      tpu.vector_store %arg9[%swap3A_155, %swap3A_156], %swap3A_159 {strides = array<i32>} : memref<640x16xf32, #tpu.memory_space<vmem>>, vector<1x16xf32>,
      %slice3A_160 = vector.extract_strided_slice %get3A_19 {offsets = [12], sizes = [1], strides = [1]} : vector<16xf32> to vector<1xf32>
      %squeeze3A_161 = vector.extract %slice3A_160[0] : f32 from vector<1xf32>
      %broadcast_in_dim3A_162 = vector.broadcast %squeeze3A_161 : f32 to vector<16xf32>
      %mul3A_163 = arith.constant 16 : i32
      %mul3A_164 = arith.muli %scan3A_15, %mul3A_163 : i32
      %add3A_165 = arith.constant 12 : i32
      %add3A_166 = arith.addi %mul3A_164, %add3A_165 : i32
      %swap3A_167 = arith.index_cast %add3A_166 : i32 to index
      %swap3A_168 = arith.constant 0 : index
      %swap3A_169 = tpu.vector_load %arg9[%swap3A_167, %swap3A_168] {strides = array<i32>} : memref<640x16xf32, #tpu.memory_space<vmem>>, vector<1x16xf32>,
      %swap3A_170 = vector.shape_cast %swap3A_169 : vector<1x16xf32> to vector<16xf32>
      %swap3A_171 = vector.shape_cast %broadcast_in_dim3A_162 : vector<16xf32> to vector<1x16xf32>
      tpu.vector_store %arg9[%swap3A_167, %swap3A_168], %swap3A_171 {strides = array<i32>} : memref<640x16xf32, #tpu.memory_space<vmem>>, vector<1x16xf32>,
      %slice3A_172 = vector.extract_strided_slice %get3A_19 {offsets = [13], sizes = [1], strides = [1]} : vector<16xf32> to vector<1xf32>
      %squeeze3A_173 = vector.extract %slice3A_172[0] : f32 from vector<1xf32>
      %broadcast_in_dim3A_174 = vector.broadcast %squeeze3A_173 : f32 to vector<16xf32>
      %mul3A_175 = arith.constant 16 : i32
      %mul3A_176 = arith.muli %scan3A_15, %mul3A_175 : i32
      %add3A_177 = arith.constant 13 : i32
      %add3A_178 = arith.addi %mul3A_176, %add3A_177 : i32
      %swap3A_179 = arith.index_cast %add3A_178 : i32 to index
      %swap3A_180 = arith.constant 0 : index
      %swap3A_181 = tpu.vector_load %arg9[%swap3A_179, %swap3A_180] {strides = array<i32>} : memref<640x16xf32, #tpu.memory_space<vmem>>, vector<1x16xf32>,
      %swap3A_182 = vector.shape_cast %swap3A_181 : vector<1x16xf32> to vector<16xf32>
      %swap3A_183 = vector.shape_cast %broadcast_in_dim3A_174 : vector<16xf32> to vector<1x16xf32>
      tpu.vector_store %arg9[%swap3A_179, %swap3A_180], %swap3A_183 {strides = array<i32>} : memref<640x16xf32, #tpu.memory_space<vmem>>, vector<1x16xf32>,
      %slice3A_184 = vector.extract_strided_slice %get3A_19 {offsets = [14], sizes = [1], strides = [1]} : vector<16xf32> to vector<1xf32>
      %squeeze3A_185 = vector.extract %slice3A_184[0] : f32 from vector<1xf32>
      %broadcast_in_dim3A_186 = vector.broadcast %squeeze3A_185 : f32 to vector<16xf32>
      %mul3A_187 = arith.constant 16 : i32
      %mul3A_188 = arith.muli %scan3A_15, %mul3A_187 : i32
      %add3A_189 = arith.constant 14 : i32
      %add3A_190 = arith.addi %mul3A_188, %add3A_189 : i32
      %swap3A_191 = arith.index_cast %add3A_190 : i32 to index
      %swap3A_192 = arith.constant 0 : index
      %swap3A_193 = tpu.vector_load %arg9[%swap3A_191, %swap3A_192] {strides = array<i32>} : memref<640x16xf32, #tpu.memory_space<vmem>>, vector<1x16xf32>,
      %swap3A_194 = vector.shape_cast %swap3A_193 : vector<1x16xf32> to vector<16xf32>
      %swap3A_195 = vector.shape_cast %broadcast_in_dim3A_186 : vector<16xf32> to vector<1x16xf32>
      tpu.vector_store %arg9[%swap3A_191, %swap3A_192], %swap3A_195 {strides = array<i32>} : memref<640x16xf32, #tpu.memory_space<vmem>>, vector<1x16xf32>,
      %slice3A_196 = vector.extract_strided_slice %get3A_19 {offsets = [15], sizes = [1], strides = [1]} : vector<16xf32> to vector<1xf32>
      %squeeze3A_197 = vector.extract %slice3A_196[0] : f32 from vector<1xf32>
      %broadcast_in_dim3A_198 = vector.broadcast %squeeze3A_197 : f32 to vector<16xf32>
      %mul3A_199 = arith.constant 16 : i32
      %mul3A_200 = arith.muli %scan3A_15, %mul3A_199 : i32
      %add3A_201 = arith.constant 15 : i32
      %add3A_202 = arith.addi %mul3A_200, %add3A_201 : i32
      %swap3A_203 = arith.index_cast %add3A_202 : i32 to index
      %swap3A_204 = arith.constant 0 : index
      %swap3A_205 = tpu.vector_load %arg9[%swap3A_203, %swap3A_204] {strides = array<i32>} : memref<640x16xf32, #tpu.memory_space<vmem>>, vector<1x16xf32>,
      %swap3A_206 = vector.shape_cast %swap3A_205 : vector<1x16xf32> to vector<16xf32>
      %swap3A_207 = vector.shape_cast %broadcast_in_dim3A_198 : vector<16xf32> to vector<1x16xf32>
      tpu.vector_store %arg9[%swap3A_203, %swap3A_204], %swap3A_207 {strides = array<i32>} : memref<640x16xf32, #tpu.memory_space<vmem>>, vector<1x16xf32>,
    }
    %scan3A_14 = arith.constant 40 : i32
    "tpu.region"() ({
      %run_scoped3A = tpu.sem_alloc : memref<!tpu.dma_semaphore, #tpu.memory_space<semaphore_mem>>
      %dma_start3A = arith.constant 0 : i32
      %dma_start3A_15 = tpu.memref_slice %arg5[%arg0, %mul3A_2, %dma_start3A] : memref<2x10240x16xf32, #tpu.memory_space<hbm>> -> memref<1x640x16xf32, #tpu.memory_space<hbm>>
      %dma_start3A_16 = tpu.memref_squeeze %dma_start3A_15 : memref<1x640x16xf32, #tpu.memory_space<hbm>> -> memref<640x16xf32, #tpu.memory_space<hbm>>
      %dma_start3A_17 = arith.constant 0 : i32
      %dma_start3A_18 = tpu.memref_slice %arg5[%arg0, %mul3A_2, %dma_start3A_17] : memref<2x10240x16xf32, #tpu.memory_space<hbm>> -> memref<1x640x16xf32, #tpu.memory_space<hbm>>
      %dma_start3A_19 = tpu.memref_squeeze %dma_start3A_18 : memref<1x640x16xf32, #tpu.memory_space<hbm>> -> memref<640x16xf32, #tpu.memory_space<hbm>>
      tpu.enqueue_dma source(%arg9 : memref<640x16xf32, #tpu.memory_space<vmem>>) target(%dma_start3A_19 : memref<640x16xf32, #tpu.memory_space<hbm>>) target_semaphore(%run_scoped3A : memref<!tpu.dma_semaphore, #tpu.memory_space<semaphore_mem>>)
      %dma_wait3A = arith.constant 0 : i32
      %dma_wait3A_20 = tpu.memref_slice %arg5[%arg0, %mul3A_2, %dma_wait3A] : memref<2x10240x16xf32, #tpu.memory_space<hbm>> -> memref<1x640x16xf32, #tpu.memory_space<hbm>>
      %dma_wait3A_21 = tpu.memref_squeeze %dma_wait3A_20 : memref<1x640x16xf32, #tpu.memory_space<hbm>> -> memref<640x16xf32, #tpu.memory_space<hbm>>
      %dma_wait3A_22 = arith.constant 0 : i32
      %dma_wait3A_23 = tpu.memref_slice %arg5[%arg0, %mul3A_2, %dma_wait3A_22] : memref<2x10240x16xf32, #tpu.memory_space<hbm>> -> memref<1x640x16xf32, #tpu.memory_space<hbm>>
      %dma_wait3A_24 = tpu.memref_squeeze %dma_wait3A_23 : memref<1x640x16xf32, #tpu.memory_space<hbm>> -> memref<640x16xf32, #tpu.memory_space<hbm>>
      tpu.wait_dma2 semaphore(%run_scoped3A : memref<!tpu.dma_semaphore, #tpu.memory_space<semaphore_mem>>) src(%arg9 : memref<640x16xf32, #tpu.memory_space<vmem>>) dst(%dma_wait3A_24 : memref<640x16xf32, #tpu.memory_space<hbm>>)
      tpu.yield
    }) : () -> ()
    return
  }
}

#map = affine_map<(d0, d1) -> (0, 0)>
#map1 = affine_map<(d0, d1) -> (0, 0, 0)>
module attributes {stable_mosaic.version = 14 : i64} {
  func.func @scatter_kernel(%arg0: i32, %arg1: i32, %arg2: memref<10000x128xf32, #tpu.memory_space<hbm>>, %arg3: memref<32x80x128xi32, #tpu.memory_space<hbm>>, %arg4: memref<32x80x128xi32, #tpu.memory_space<hbm>>, %arg5: memref<10240x128xf32, #tpu.memory_space<hbm>>, %arg6: memref<2x10240x128xf32, #tpu.memory_space<hbm>>, %arg7: memref<40x128xi32, #tpu.memory_space<vmem>>, %arg8: memref<40x128xi32, #tpu.memory_space<vmem>>, %arg9: memref<2x128x128xf32, #tpu.memory_space<vmem>>, %arg10: memref<10240x128xf32, #tpu.memory_space<vmem_shared>>, %arg11: memref<!tpu.dma_semaphore, #tpu.memory_space<semaphore_mem>>, %arg12: memref<!tpu.dma_semaphore, #tpu.memory_space<semaphore_mem>>, %arg13: memref<!tpu.dma_semaphore, #tpu.memory_space<semaphore_mem>>, %arg14: memref<!tpu.dma_semaphore, #tpu.memory_space<semaphore_mem>>) attributes {dimension_semantics = [#tpu.dimension_semantics<core_parallel>, #tpu.dimension_semantics<subcore_parallel>], iteration_bounds = array<i64: 2, 16>, scalar_prefetch = 0 : i64, scratch_operands = 8 : i64, tpu.core_type = #tpu.core_type<sc_vector_subcore>, window_params = [{transform_indices = #map}, {transform_indices = #map1}, {transform_indices = #map1}, {transform_indices = #map}, {transform_indices = #map1}]} {
    %mul3A = arith.constant 2 : i32
    %mul3A_0 = arith.muli %arg1, %mul3A : i32
    %add3A = arith.addi %mul3A_0, %arg0 : i32
    %mul3A_1 = arith.constant 640 : i32
    %mul3A_2 = arith.muli %arg1, %mul3A_1 : i32
    "tpu.region"() ({
      %run_scoped3A = tpu.sem_alloc : memref<!tpu.dma_semaphore, #tpu.memory_space<semaphore_mem>>
      %dma_start3A = arith.constant 0 : i32
      %dma_start3A_9 = tpu.memref_slice %arg10[%mul3A_2, %dma_start3A] : memref<10240x128xf32, #tpu.memory_space<vmem_shared>> -> memref<640x128xf32, #tpu.memory_space<vmem_shared>>
      %dma_start3A_10 = arith.constant 0 : i32
      %dma_start3A_11 = tpu.memref_slice %arg5[%mul3A_2, %dma_start3A_10] : memref<10240x128xf32, #tpu.memory_space<hbm>> -> memref<640x128xf32, #tpu.memory_space<hbm>>
      tpu.enqueue_dma source(%dma_start3A_11 : memref<640x128xf32, #tpu.memory_space<hbm>>) target(%dma_start3A_9 : memref<640x128xf32, #tpu.memory_space<vmem_shared>>) target_semaphore(%run_scoped3A : memref<!tpu.dma_semaphore, #tpu.memory_space<semaphore_mem>>)
      %dma_wait3A = arith.constant 0 : i32
      %dma_wait3A_12 = tpu.memref_slice %arg10[%mul3A_2, %dma_wait3A] : memref<10240x128xf32, #tpu.memory_space<vmem_shared>> -> memref<640x128xf32, #tpu.memory_space<vmem_shared>>
      %dma_wait3A_13 = arith.constant 0 : i32
      %dma_wait3A_14 = tpu.memref_slice %arg5[%mul3A_2, %dma_wait3A_13] : memref<10240x128xf32, #tpu.memory_space<hbm>> -> memref<640x128xf32, #tpu.memory_space<hbm>>
      tpu.wait_dma2 semaphore(%run_scoped3A : memref<!tpu.dma_semaphore, #tpu.memory_space<semaphore_mem>>) src(%dma_wait3A_14 : memref<640x128xf32, #tpu.memory_space<hbm>>) dst(%dma_wait3A_12 : memref<640x128xf32, #tpu.memory_space<vmem_shared>>)
      tpu.yield
    }) : () -> ()
    %barrier3A = arith.constant 0 : index
    tpu.barrier barrier_id(%barrier3A)
    %scan3A = arith.constant 0 : i32
    %scan3A_3 = arith.constant 0 : i32
    %scan3A_4 = arith.constant 2 : i32
    %scan3A_5 = arith.addi %scan3A_3, %scan3A_4 : i32
    %scan3A_6 = arith.constant 1 : i32
    scf.for %scan3A_9 = %scan3A_3 to %scan3A_5 step %scan3A_6  : i32 {
      %mul3A_10 = arith.constant 40 : i32
      %mul3A_11 = arith.muli %scan3A_9, %mul3A_10 : i32
      "tpu.region"() ({
        %run_scoped3A = tpu.sem_alloc : memref<!tpu.dma_semaphore, #tpu.memory_space<semaphore_mem>>
        %dma_start3A_31 = arith.constant 0 : i32
        %dma_start3A_32 = tpu.memref_slice %arg3[%add3A, %mul3A_11, %dma_start3A_31] : memref<32x80x128xi32, #tpu.memory_space<hbm>> -> memref<1x40x128xi32, #tpu.memory_space<hbm>>
        %dma_start3A_33 = tpu.memref_squeeze %dma_start3A_32 : memref<1x40x128xi32, #tpu.memory_space<hbm>> -> memref<40x128xi32, #tpu.memory_space<hbm>>
        %dma_start3A_34 = arith.constant 0 : i32
        %dma_start3A_35 = tpu.memref_slice %arg3[%add3A, %mul3A_11, %dma_start3A_34] : memref<32x80x128xi32, #tpu.memory_space<hbm>> -> memref<1x40x128xi32, #tpu.memory_space<hbm>>
        %dma_start3A_36 = tpu.memref_squeeze %dma_start3A_35 : memref<1x40x128xi32, #tpu.memory_space<hbm>> -> memref<40x128xi32, #tpu.memory_space<hbm>>
        tpu.enqueue_dma source(%dma_start3A_36 : memref<40x128xi32, #tpu.memory_space<hbm>>) target(%arg7 : memref<40x128xi32, #tpu.memory_space<vmem>>) target_semaphore(%run_scoped3A : memref<!tpu.dma_semaphore, #tpu.memory_space<semaphore_mem>>)
        %dma_wait3A = arith.constant 0 : i32
        %dma_wait3A_37 = tpu.memref_slice %arg3[%add3A, %mul3A_11, %dma_wait3A] : memref<32x80x128xi32, #tpu.memory_space<hbm>> -> memref<1x40x128xi32, #tpu.memory_space<hbm>>
        %dma_wait3A_38 = tpu.memref_squeeze %dma_wait3A_37 : memref<1x40x128xi32, #tpu.memory_space<hbm>> -> memref<40x128xi32, #tpu.memory_space<hbm>>
        %dma_wait3A_39 = arith.constant 0 : i32
        %dma_wait3A_40 = tpu.memref_slice %arg3[%add3A, %mul3A_11, %dma_wait3A_39] : memref<32x80x128xi32, #tpu.memory_space<hbm>> -> memref<1x40x128xi32, #tpu.memory_space<hbm>>
        %dma_wait3A_41 = tpu.memref_squeeze %dma_wait3A_40 : memref<1x40x128xi32, #tpu.memory_space<hbm>> -> memref<40x128xi32, #tpu.memory_space<hbm>>
        tpu.wait_dma2 semaphore(%run_scoped3A : memref<!tpu.dma_semaphore, #tpu.memory_space<semaphore_mem>>) src(%dma_wait3A_41 : memref<40x128xi32, #tpu.memory_space<hbm>>) dst(%arg7 : memref<40x128xi32, #tpu.memory_space<vmem>>)
        tpu.yield
      }) : () -> ()
      %mul3A_12 = arith.constant 40 : i32
      %mul3A_13 = arith.muli %scan3A_9, %mul3A_12 : i32
      "tpu.region"() ({
        %run_scoped3A = tpu.sem_alloc : memref<!tpu.dma_semaphore, #tpu.memory_space<semaphore_mem>>
        %dma_start3A_31 = arith.constant 0 : i32
        %dma_start3A_32 = tpu.memref_slice %arg4[%add3A, %mul3A_13, %dma_start3A_31] : memref<32x80x128xi32, #tpu.memory_space<hbm>> -> memref<1x40x128xi32, #tpu.memory_space<hbm>>
        %dma_start3A_33 = tpu.memref_squeeze %dma_start3A_32 : memref<1x40x128xi32, #tpu.memory_space<hbm>> -> memref<40x128xi32, #tpu.memory_space<hbm>>
        %dma_start3A_34 = arith.constant 0 : i32
        %dma_start3A_35 = tpu.memref_slice %arg4[%add3A, %mul3A_13, %dma_start3A_34] : memref<32x80x128xi32, #tpu.memory_space<hbm>> -> memref<1x40x128xi32, #tpu.memory_space<hbm>>
        %dma_start3A_36 = tpu.memref_squeeze %dma_start3A_35 : memref<1x40x128xi32, #tpu.memory_space<hbm>> -> memref<40x128xi32, #tpu.memory_space<hbm>>
        tpu.enqueue_dma source(%dma_start3A_36 : memref<40x128xi32, #tpu.memory_space<hbm>>) target(%arg8 : memref<40x128xi32, #tpu.memory_space<vmem>>) target_semaphore(%run_scoped3A : memref<!tpu.dma_semaphore, #tpu.memory_space<semaphore_mem>>)
        %dma_wait3A = arith.constant 0 : i32
        %dma_wait3A_37 = tpu.memref_slice %arg4[%add3A, %mul3A_13, %dma_wait3A] : memref<32x80x128xi32, #tpu.memory_space<hbm>> -> memref<1x40x128xi32, #tpu.memory_space<hbm>>
        %dma_wait3A_38 = tpu.memref_squeeze %dma_wait3A_37 : memref<1x40x128xi32, #tpu.memory_space<hbm>> -> memref<40x128xi32, #tpu.memory_space<hbm>>
        %dma_wait3A_39 = arith.constant 0 : i32
        %dma_wait3A_40 = tpu.memref_slice %arg4[%add3A, %mul3A_13, %dma_wait3A_39] : memref<32x80x128xi32, #tpu.memory_space<hbm>> -> memref<1x40x128xi32, #tpu.memory_space<hbm>>
        %dma_wait3A_41 = tpu.memref_squeeze %dma_wait3A_40 : memref<1x40x128xi32, #tpu.memory_space<hbm>> -> memref<40x128xi32, #tpu.memory_space<hbm>>
        tpu.wait_dma2 semaphore(%run_scoped3A : memref<!tpu.dma_semaphore, #tpu.memory_space<semaphore_mem>>) src(%dma_wait3A_41 : memref<40x128xi32, #tpu.memory_space<hbm>>) dst(%arg8 : memref<40x128xi32, #tpu.memory_space<vmem>>)
        tpu.yield
      }) : () -> ()
      %dma_start3A = arith.constant 0 : i32
      %dma_start3A_14 = arith.constant 0 : i32
      %dma_start3A_15 = arith.constant 0 : i32
      %dma_start3A_16 = arith.constant 0 : i32
      %dma_start3A_17 = tpu.memref_slice %arg9[%dma_start3A_14, %dma_start3A_15, %dma_start3A_16] : memref<2x128x128xf32, #tpu.memory_space<vmem>> -> memref<1x128x128xf32, #tpu.memory_space<vmem>>
      %dma_start3A_18 = tpu.memref_squeeze %dma_start3A_17 : memref<1x128x128xf32, #tpu.memory_space<vmem>> -> memref<128x128xf32, #tpu.memory_space<vmem>>
      %dma_start3A_19 = arith.constant 0 : i32
      %dma_start3A_20 = tpu.memref_slice %arg7[%dma_start3A, %dma_start3A_19] : memref<40x128xi32, #tpu.memory_space<vmem>> -> memref<1x128xi32, #tpu.memory_space<vmem>>
      %dma_start3A_21 = tpu.memref_squeeze %dma_start3A_20 : memref<1x128xi32, #tpu.memory_space<vmem>> -> memref<128xi32, #tpu.memory_space<vmem>>
      %dma_start3A_22 = arith.constant 0 : i32
      %dma_start3A_23 = arith.constant 0 : i32
      %dma_start3A_24 = tpu.memref_slice %arg2[%dma_start3A_22, %dma_start3A_23] : memref<10000x128xf32, #tpu.memory_space<hbm>> -> memref<10000x128xf32, #tpu.memory_space<hbm>>
      tpu.enqueue_indirect_dma source(%dma_start3A_24 : memref<10000x128xf32, #tpu.memory_space<hbm>>) target(%dma_start3A_18 : memref<128x128xf32, #tpu.memory_space<vmem>>) offsets(%dma_start3A_21 : memref<128xi32, #tpu.memory_space<vmem>>) semaphore(%arg11 : memref<!tpu.dma_semaphore, #tpu.memory_space<semaphore_mem>>)
      %scan3A_25 = arith.constant 0 : i32
      %scan3A_26 = arith.constant 0 : i32
      %scan3A_27 = arith.constant 20 : i32
      %scan3A_28 = arith.addi %scan3A_26, %scan3A_27 : i32
      %scan3A_29 = arith.constant 1 : i32
      scf.for %scan3A_31 = %scan3A_26 to %scan3A_28 step %scan3A_29  : i32 {
        %mul3A_32 = arith.constant 2 : i32
        %mul3A_33 = arith.muli %mul3A_32, %scan3A_31 : i32
        %mul3A_34 = arith.constant 2 : i32
        %mul3A_35 = arith.muli %mul3A_34, %scan3A_31 : i32
        %add3A_36 = arith.constant 1 : i32
        %add3A_37 = arith.addi %mul3A_35, %add3A_36 : i32
        %dma_start3A_38 = arith.constant 1 : i32
        %dma_start3A_39 = arith.constant 0 : i32
        %dma_start3A_40 = arith.constant 0 : i32
        %dma_start3A_41 = tpu.memref_slice %arg9[%dma_start3A_38, %dma_start3A_39, %dma_start3A_40] : memref<2x128x128xf32, #tpu.memory_space<vmem>> -> memref<1x128x128xf32, #tpu.memory_space<vmem>>
        %dma_start3A_42 = tpu.memref_squeeze %dma_start3A_41 : memref<1x128x128xf32, #tpu.memory_space<vmem>> -> memref<128x128xf32, #tpu.memory_space<vmem>>
        %dma_start3A_43 = arith.constant 0 : i32
        %dma_start3A_44 = tpu.memref_slice %arg7[%add3A_37, %dma_start3A_43] : memref<40x128xi32, #tpu.memory_space<vmem>> -> memref<1x128xi32, #tpu.memory_space<vmem>>
        %dma_start3A_45 = tpu.memref_squeeze %dma_start3A_44 : memref<1x128xi32, #tpu.memory_space<vmem>> -> memref<128xi32, #tpu.memory_space<vmem>>
        %dma_start3A_46 = arith.constant 0 : i32
        %dma_start3A_47 = arith.constant 0 : i32
        %dma_start3A_48 = tpu.memref_slice %arg2[%dma_start3A_46, %dma_start3A_47] : memref<10000x128xf32, #tpu.memory_space<hbm>> -> memref<10000x128xf32, #tpu.memory_space<hbm>>
        tpu.enqueue_indirect_dma source(%dma_start3A_48 : memref<10000x128xf32, #tpu.memory_space<hbm>>) target(%dma_start3A_42 : memref<128x128xf32, #tpu.memory_space<vmem>>) offsets(%dma_start3A_45 : memref<128xi32, #tpu.memory_space<vmem>>) semaphore(%arg12 : memref<!tpu.dma_semaphore, #tpu.memory_space<semaphore_mem>>)
        %dma_wait3A = arith.constant 0 : i32
        %dma_wait3A_49 = arith.constant 0 : i32
        %dma_wait3A_50 = arith.constant 0 : i32
        %dma_wait3A_51 = tpu.memref_slice %arg9[%dma_wait3A, %dma_wait3A_49, %dma_wait3A_50] : memref<2x128x128xf32, #tpu.memory_space<vmem>> -> memref<1x128x128xf32, #tpu.memory_space<vmem>>
        %dma_wait3A_52 = tpu.memref_squeeze %dma_wait3A_51 : memref<1x128x128xf32, #tpu.memory_space<vmem>> -> memref<128x128xf32, #tpu.memory_space<vmem>>
        %dma_wait3A_53 = arith.constant 0 : i32
        %dma_wait3A_54 = tpu.memref_slice %arg7[%mul3A_33, %dma_wait3A_53] : memref<40x128xi32, #tpu.memory_space<vmem>> -> memref<1x128xi32, #tpu.memory_space<vmem>>
        %dma_wait3A_55 = tpu.memref_squeeze %dma_wait3A_54 : memref<1x128xi32, #tpu.memory_space<vmem>> -> memref<128xi32, #tpu.memory_space<vmem>>
        %dma_wait3A_56 = arith.constant 0 : i32
        %dma_wait3A_57 = arith.constant 0 : i32
        %dma_wait3A_58 = tpu.memref_slice %arg2[%dma_wait3A_56, %dma_wait3A_57] : memref<10000x128xf32, #tpu.memory_space<hbm>> -> memref<10000x128xf32, #tpu.memory_space<hbm>>
        tpu.wait_indirect_dma semaphore(%arg11 : memref<!tpu.dma_semaphore, #tpu.memory_space<semaphore_mem>>) src(%dma_wait3A_58 : memref<10000x128xf32, #tpu.memory_space<hbm>>) dst(%dma_wait3A_52 : memref<128x128xf32, #tpu.memory_space<vmem>>)
        %run_scoped3A = arith.constant 0 : i32
        "tpu.region"() ({
          %run_scoped3A_75 = tpu.sem_alloc : memref<!tpu.dma_semaphore, #tpu.memory_space<semaphore_mem>>
          %dma_start3A_76 = arith.constant 0 : i32
          %dma_start3A_77 = arith.constant 0 : i32
          %dma_start3A_78 = tpu.memref_slice %arg9[%run_scoped3A, %dma_start3A_76, %dma_start3A_77] : memref<2x128x128xf32, #tpu.memory_space<vmem>> -> memref<1x128x128xf32, #tpu.memory_space<vmem>>
          %dma_start3A_79 = tpu.memref_squeeze %dma_start3A_78 : memref<1x128x128xf32, #tpu.memory_space<vmem>> -> memref<128x128xf32, #tpu.memory_space<vmem>>
          %dma_start3A_80 = arith.constant 0 : i32
          %dma_start3A_81 = tpu.memref_slice %arg8[%mul3A_33, %dma_start3A_80] : memref<40x128xi32, #tpu.memory_space<vmem>> -> memref<1x128xi32, #tpu.memory_space<vmem>>
          %dma_start3A_82 = tpu.memref_squeeze %dma_start3A_81 : memref<1x128xi32, #tpu.memory_space<vmem>> -> memref<128xi32, #tpu.memory_space<vmem>>
          %dma_start3A_83 = arith.constant 0 : i32
          %dma_start3A_84 = arith.constant 0 : i32
          %dma_start3A_85 = tpu.memref_slice %arg10[%dma_start3A_83, %dma_start3A_84] : memref<10240x128xf32, #tpu.memory_space<vmem_shared>> -> memref<10240x128xf32, #tpu.memory_space<vmem_shared>>
          tpu.enqueue_indirect_dma source(%dma_start3A_79 : memref<128x128xf32, #tpu.memory_space<vmem>>) target(%dma_start3A_85 : memref<10240x128xf32, #tpu.memory_space<vmem_shared>>) offsets(%dma_start3A_82 : memref<128xi32, #tpu.memory_space<vmem>>) semaphore(%run_scoped3A_75 : memref<!tpu.dma_semaphore, #tpu.memory_space<semaphore_mem>>) {add = true}
          %dma_wait3A_86 = arith.constant 0 : i32
          %dma_wait3A_87 = arith.constant 0 : i32
          %dma_wait3A_88 = tpu.memref_slice %arg9[%run_scoped3A, %dma_wait3A_86, %dma_wait3A_87] : memref<2x128x128xf32, #tpu.memory_space<vmem>> -> memref<1x128x128xf32, #tpu.memory_space<vmem>>
          %dma_wait3A_89 = tpu.memref_squeeze %dma_wait3A_88 : memref<1x128x128xf32, #tpu.memory_space<vmem>> -> memref<128x128xf32, #tpu.memory_space<vmem>>
          %dma_wait3A_90 = arith.constant 0 : i32
          %dma_wait3A_91 = tpu.memref_slice %arg8[%mul3A_33, %dma_wait3A_90] : memref<40x128xi32, #tpu.memory_space<vmem>> -> memref<1x128xi32, #tpu.memory_space<vmem>>
          %dma_wait3A_92 = tpu.memref_squeeze %dma_wait3A_91 : memref<1x128xi32, #tpu.memory_space<vmem>> -> memref<128xi32, #tpu.memory_space<vmem>>
          %dma_wait3A_93 = arith.constant 0 : i32
          %dma_wait3A_94 = arith.constant 0 : i32
          %dma_wait3A_95 = tpu.memref_slice %arg10[%dma_wait3A_93, %dma_wait3A_94] : memref<10240x128xf32, #tpu.memory_space<vmem_shared>> -> memref<10240x128xf32, #tpu.memory_space<vmem_shared>>
          tpu.wait_indirect_dma semaphore(%run_scoped3A_75 : memref<!tpu.dma_semaphore, #tpu.memory_space<semaphore_mem>>) src(%dma_wait3A_89 : memref<128x128xf32, #tpu.memory_space<vmem>>) dst(%dma_wait3A_95 : memref<10240x128xf32, #tpu.memory_space<vmem_shared>>)
          tpu.yield
        }) : () -> ()
        %add3A_59 = arith.constant 1 : i32
        %add3A_60 = arith.addi %scan3A_31, %add3A_59 : i32
        %lt3A = arith.constant 20 : i32
        %lt3A_61 = arith.cmpi slt, %add3A_60, %lt3A : i32
        %convert_element_type3A = arith.extui %lt3A_61 : i1 to i32
        %cond3A = arith.constant 0 : i32
        %cond3A_62 = arith.cmpi ne, %convert_element_type3A, %cond3A : i32
        scf.if %cond3A_62 {
          %add3A_75 = arith.constant 2 : i32
          %add3A_76 = arith.addi %mul3A_33, %add3A_75 : i32
          %dma_start3A_77 = arith.constant 0 : i32
          %dma_start3A_78 = arith.constant 0 : i32
          %dma_start3A_79 = arith.constant 0 : i32
          %dma_start3A_80 = tpu.memref_slice %arg9[%dma_start3A_77, %dma_start3A_78, %dma_start3A_79] : memref<2x128x128xf32, #tpu.memory_space<vmem>> -> memref<1x128x128xf32, #tpu.memory_space<vmem>>
          %dma_start3A_81 = tpu.memref_squeeze %dma_start3A_80 : memref<1x128x128xf32, #tpu.memory_space<vmem>> -> memref<128x128xf32, #tpu.memory_space<vmem>>
          %dma_start3A_82 = arith.constant 0 : i32
          %dma_start3A_83 = tpu.memref_slice %arg7[%add3A_76, %dma_start3A_82] : memref<40x128xi32, #tpu.memory_space<vmem>> -> memref<1x128xi32, #tpu.memory_space<vmem>>
          %dma_start3A_84 = tpu.memref_squeeze %dma_start3A_83 : memref<1x128xi32, #tpu.memory_space<vmem>> -> memref<128xi32, #tpu.memory_space<vmem>>
          %dma_start3A_85 = arith.constant 0 : i32
          %dma_start3A_86 = arith.constant 0 : i32
          %dma_start3A_87 = tpu.memref_slice %arg2[%dma_start3A_85, %dma_start3A_86] : memref<10000x128xf32, #tpu.memory_space<hbm>> -> memref<10000x128xf32, #tpu.memory_space<hbm>>
          tpu.enqueue_indirect_dma source(%dma_start3A_87 : memref<10000x128xf32, #tpu.memory_space<hbm>>) target(%dma_start3A_81 : memref<128x128xf32, #tpu.memory_space<vmem>>) offsets(%dma_start3A_84 : memref<128xi32, #tpu.memory_space<vmem>>) semaphore(%arg11 : memref<!tpu.dma_semaphore, #tpu.memory_space<semaphore_mem>>)
        } else {
        }
        %dma_wait3A_63 = arith.constant 1 : i32
        %dma_wait3A_64 = arith.constant 0 : i32
        %dma_wait3A_65 = arith.constant 0 : i32
        %dma_wait3A_66 = tpu.memref_slice %arg9[%dma_wait3A_63, %dma_wait3A_64, %dma_wait3A_65] : memref<2x128x128xf32, #tpu.memory_space<vmem>> -> memref<1x128x128xf32, #tpu.memory_space<vmem>>
        %dma_wait3A_67 = tpu.memref_squeeze %dma_wait3A_66 : memref<1x128x128xf32, #tpu.memory_space<vmem>> -> memref<128x128xf32, #tpu.memory_space<vmem>>
        %dma_wait3A_68 = arith.constant 0 : i32
        %dma_wait3A_69 = tpu.memref_slice %arg7[%add3A_37, %dma_wait3A_68] : memref<40x128xi32, #tpu.memory_space<vmem>> -> memref<1x128xi32, #tpu.memory_space<vmem>>
        %dma_wait3A_70 = tpu.memref_squeeze %dma_wait3A_69 : memref<1x128xi32, #tpu.memory_space<vmem>> -> memref<128xi32, #tpu.memory_space<vmem>>
        %dma_wait3A_71 = arith.constant 0 : i32
        %dma_wait3A_72 = arith.constant 0 : i32
        %dma_wait3A_73 = tpu.memref_slice %arg2[%dma_wait3A_71, %dma_wait3A_72] : memref<10000x128xf32, #tpu.memory_space<hbm>> -> memref<10000x128xf32, #tpu.memory_space<hbm>>
        tpu.wait_indirect_dma semaphore(%arg12 : memref<!tpu.dma_semaphore, #tpu.memory_space<semaphore_mem>>) src(%dma_wait3A_73 : memref<10000x128xf32, #tpu.memory_space<hbm>>) dst(%dma_wait3A_67 : memref<128x128xf32, #tpu.memory_space<vmem>>)
        %run_scoped3A_74 = arith.constant 1 : i32
        "tpu.region"() ({
          %run_scoped3A_75 = tpu.sem_alloc : memref<!tpu.dma_semaphore, #tpu.memory_space<semaphore_mem>>
          %dma_start3A_76 = arith.constant 0 : i32
          %dma_start3A_77 = arith.constant 0 : i32
          %dma_start3A_78 = tpu.memref_slice %arg9[%run_scoped3A_74, %dma_start3A_76, %dma_start3A_77] : memref<2x128x128xf32, #tpu.memory_space<vmem>> -> memref<1x128x128xf32, #tpu.memory_space<vmem>>
          %dma_start3A_79 = tpu.memref_squeeze %dma_start3A_78 : memref<1x128x128xf32, #tpu.memory_space<vmem>> -> memref<128x128xf32, #tpu.memory_space<vmem>>
          %dma_start3A_80 = arith.constant 0 : i32
          %dma_start3A_81 = tpu.memref_slice %arg8[%add3A_37, %dma_start3A_80] : memref<40x128xi32, #tpu.memory_space<vmem>> -> memref<1x128xi32, #tpu.memory_space<vmem>>
          %dma_start3A_82 = tpu.memref_squeeze %dma_start3A_81 : memref<1x128xi32, #tpu.memory_space<vmem>> -> memref<128xi32, #tpu.memory_space<vmem>>
          %dma_start3A_83 = arith.constant 0 : i32
          %dma_start3A_84 = arith.constant 0 : i32
          %dma_start3A_85 = tpu.memref_slice %arg10[%dma_start3A_83, %dma_start3A_84] : memref<10240x128xf32, #tpu.memory_space<vmem_shared>> -> memref<10240x128xf32, #tpu.memory_space<vmem_shared>>
          tpu.enqueue_indirect_dma source(%dma_start3A_79 : memref<128x128xf32, #tpu.memory_space<vmem>>) target(%dma_start3A_85 : memref<10240x128xf32, #tpu.memory_space<vmem_shared>>) offsets(%dma_start3A_82 : memref<128xi32, #tpu.memory_space<vmem>>) semaphore(%run_scoped3A_75 : memref<!tpu.dma_semaphore, #tpu.memory_space<semaphore_mem>>) {add = true}
          %dma_wait3A_86 = arith.constant 0 : i32
          %dma_wait3A_87 = arith.constant 0 : i32
          %dma_wait3A_88 = tpu.memref_slice %arg9[%run_scoped3A_74, %dma_wait3A_86, %dma_wait3A_87] : memref<2x128x128xf32, #tpu.memory_space<vmem>> -> memref<1x128x128xf32, #tpu.memory_space<vmem>>
          %dma_wait3A_89 = tpu.memref_squeeze %dma_wait3A_88 : memref<1x128x128xf32, #tpu.memory_space<vmem>> -> memref<128x128xf32, #tpu.memory_space<vmem>>
          %dma_wait3A_90 = arith.constant 0 : i32
          %dma_wait3A_91 = tpu.memref_slice %arg8[%add3A_37, %dma_wait3A_90] : memref<40x128xi32, #tpu.memory_space<vmem>> -> memref<1x128xi32, #tpu.memory_space<vmem>>
          %dma_wait3A_92 = tpu.memref_squeeze %dma_wait3A_91 : memref<1x128xi32, #tpu.memory_space<vmem>> -> memref<128xi32, #tpu.memory_space<vmem>>
          %dma_wait3A_93 = arith.constant 0 : i32
          %dma_wait3A_94 = arith.constant 0 : i32
          %dma_wait3A_95 = tpu.memref_slice %arg10[%dma_wait3A_93, %dma_wait3A_94] : memref<10240x128xf32, #tpu.memory_space<vmem_shared>> -> memref<10240x128xf32, #tpu.memory_space<vmem_shared>>
          tpu.wait_indirect_dma semaphore(%run_scoped3A_75 : memref<!tpu.dma_semaphore, #tpu.memory_space<semaphore_mem>>) src(%dma_wait3A_89 : memref<128x128xf32, #tpu.memory_space<vmem>>) dst(%dma_wait3A_95 : memref<10240x128xf32, #tpu.memory_space<vmem_shared>>)
          tpu.yield
        }) : () -> ()
      }
      %scan3A_30 = arith.constant 20 : i32
    }
    %scan3A_7 = arith.constant 2 : i32
    %barrier3A_8 = arith.constant 0 : index
    tpu.barrier barrier_id(%barrier3A_8)
    "tpu.region"() ({
      %run_scoped3A = tpu.sem_alloc : memref<!tpu.dma_semaphore, #tpu.memory_space<semaphore_mem>>
      %dma_start3A = arith.constant 0 : i32
      %dma_start3A_9 = tpu.memref_slice %arg6[%arg0, %mul3A_2, %dma_start3A] : memref<2x10240x128xf32, #tpu.memory_space<hbm>> -> memref<1x640x128xf32, #tpu.memory_space<hbm>>
      %dma_start3A_10 = tpu.memref_squeeze %dma_start3A_9 : memref<1x640x128xf32, #tpu.memory_space<hbm>> -> memref<640x128xf32, #tpu.memory_space<hbm>>
      %dma_start3A_11 = arith.constant 0 : i32
      %dma_start3A_12 = tpu.memref_slice %arg10[%mul3A_2, %dma_start3A_11] : memref<10240x128xf32, #tpu.memory_space<vmem_shared>> -> memref<640x128xf32, #tpu.memory_space<vmem_shared>>
      tpu.enqueue_dma source(%dma_start3A_12 : memref<640x128xf32, #tpu.memory_space<vmem_shared>>) target(%dma_start3A_10 : memref<640x128xf32, #tpu.memory_space<hbm>>) target_semaphore(%run_scoped3A : memref<!tpu.dma_semaphore, #tpu.memory_space<semaphore_mem>>)
      %dma_wait3A = arith.constant 0 : i32
      %dma_wait3A_13 = tpu.memref_slice %arg6[%arg0, %mul3A_2, %dma_wait3A] : memref<2x10240x128xf32, #tpu.memory_space<hbm>> -> memref<1x640x128xf32, #tpu.memory_space<hbm>>
      %dma_wait3A_14 = tpu.memref_squeeze %dma_wait3A_13 : memref<1x640x128xf32, #tpu.memory_space<hbm>> -> memref<640x128xf32, #tpu.memory_space<hbm>>
      %dma_wait3A_15 = arith.constant 0 : i32
      %dma_wait3A_16 = tpu.memref_slice %arg10[%mul3A_2, %dma_wait3A_15] : memref<10240x128xf32, #tpu.memory_space<vmem_shared>> -> memref<640x128xf32, #tpu.memory_space<vmem_shared>>
      tpu.wait_dma2 semaphore(%run_scoped3A : memref<!tpu.dma_semaphore, #tpu.memory_space<semaphore_mem>>) src(%dma_wait3A_16 : memref<640x128xf32, #tpu.memory_space<vmem_shared>>) dst(%dma_wait3A_14 : memref<640x128xf32, #tpu.memory_space<hbm>>)
      tpu.yield
    }) : () -> ()
    return
  }
}

module attributes {stable_mosaic.version = 14 : i64} {
  func.func @_tc_a1_body(%arg0: i32, %arg1: memref<2000x128xf32, #tpu.memory_space<vmem>>, %arg2: memref<128x128xf32, #tpu.memory_space<vmem>>, %arg3: memref<2000x128xf32, #tpu.memory_space<vmem>>) attributes {dimension_semantics = [#tpu.dimension_semantics<arbitrary>], iteration_bounds = array<i64: 5>, scalar_prefetch = 0 : i64, scratch_operands = 0 : i64, tpu.core_type = #tpu.core_type<tc>, window_params = [{transform_indices = @transform_0, window_bounds = array<i64: 2000, 128>}, {pipeline_mode = #tpu.pipeline_mode<synchronous>, transform_indices = @transform_1, window_bounds = array<i64: 128, 128>}, {transform_indices = @transform_2, window_bounds = array<i64: 2000, 128>}]} {
    %get3A = arith.constant 0 : index
    %get3A_0 = arith.constant 0 : index
    %get3A_1 = vector.load %arg1[%get3A, %get3A_0] : memref<2000x128xf32, #tpu.memory_space<vmem>>, vector<2000x128xf32>
    %get3A_2 = arith.constant 0 : index
    %get3A_3 = arith.constant 0 : index
    %get3A_4 = vector.load %arg2[%get3A_2, %get3A_3] : memref<128x128xf32, #tpu.memory_space<vmem>>, vector<128x128xf32>
    %dot_general3A = arith.constant dense<0.000000e+00> : vector<2000x128xf32>
    %dot_general3A_5 = tpu.matmul %get3A_1, %get3A_4, %dot_general3A {dimension_numbers = #tpu.dot_dimension_numbers<[1], [0], [0], [1], [0, 0, 1, 1], [], []>, transpose_lhs_hint = false} : vector<2000x128xf32>, vector<128x128xf32>, vector<2000x128xf32> -> vector<2000x128xf32>
    %swap3A = arith.constant 0 : index
    %swap3A_6 = arith.constant 0 : index
    %swap3A_7 = vector.load %arg3[%swap3A, %swap3A_6] : memref<2000x128xf32, #tpu.memory_space<vmem>>, vector<2000x128xf32>
    tpu.vector_store %arg3[%swap3A, %swap3A_6], %dot_general3A_5 {strides = array<i32>} : memref<2000x128xf32, #tpu.memory_space<vmem>>, vector<2000x128xf32>,
    return
  }
  func.func @transform_0(%arg0: i32) -> (i32, i32) {
    %c0_i32 = arith.constant 0 : i32
    %c0_i32_0 = arith.constant 0 : i32
    return %arg0, %c0_i32 : i32, i32
  }
  func.func @transform_1(%arg0: i32) -> (i32, i32) {
    %c0_i32 = arith.constant 0 : i32
    %c0_i32_0 = arith.constant 0 : i32
    %c0_i32_1 = arith.constant 0 : i32
    return %c0_i32, %c0_i32_0 : i32, i32
  }
  func.func @transform_2(%arg0: i32) -> (i32, i32) {
    %c0_i32 = arith.constant 0 : i32
    %c0_i32_0 = arith.constant 0 : i32
    return %arg0, %c0_i32 : i32, i32
  }
}

module attributes {stable_mosaic.version = 14 : i64} {
  func.func @_tc_a2_body(%arg0: i32, %arg1: memref<2000x128xf32, #tpu.memory_space<vmem>>, %arg2: memref<2x2000x16xf32, #tpu.memory_space<vmem>>, %arg3: memref<2000x128xf32, #tpu.memory_space<vmem>>) attributes {dimension_semantics = [#tpu.dimension_semantics<arbitrary>], iteration_bounds = array<i64: 5>, scalar_prefetch = 0 : i64, scratch_operands = 0 : i64, tpu.core_type = #tpu.core_type<tc>, window_params = [{transform_indices = @transform_0, window_bounds = array<i64: 2000, 128>}, {transform_indices = @transform_1, window_bounds = array<i64: 2, 2000, 16>}, {transform_indices = @transform_2, window_bounds = array<i64: 2000, 128>}]} {
    %get3A = arith.constant 0 : index
    %get3A_0 = arith.constant 0 : index
    %get3A_1 = arith.constant 0 : index
    %get3A_2 = vector.load %arg2[%get3A, %get3A_0, %get3A_1] : memref<2x2000x16xf32, #tpu.memory_space<vmem>>, vector<1x2000x16xf32>
    %get3A_3 = vector.shape_cast %get3A_2 : vector<1x2000x16xf32> to vector<2000x16xf32>
    %get3A_4 = arith.constant 1 : index
    %get3A_5 = arith.constant 0 : index
    %get3A_6 = arith.constant 0 : index
    %get3A_7 = vector.load %arg2[%get3A_4, %get3A_5, %get3A_6] : memref<2x2000x16xf32, #tpu.memory_space<vmem>>, vector<1x2000x16xf32>
    %get3A_8 = vector.shape_cast %get3A_7 : vector<1x2000x16xf32> to vector<2000x16xf32>
    %add3A = arith.addf %get3A_3, %get3A_8 : vector<2000x16xf32>
    %add3A_9 = arith.constant 1.000000e+00 : f32
    %add3A_10 = vector.broadcast %add3A_9 : f32 to vector<2000x16xf32>
    %add3A_11 = arith.addf %add3A, %add3A_10 : vector<2000x16xf32>
    %rsqrt3A = math.rsqrt %add3A_11 : vector<2000x16xf32>
    %slice3A = vector.extract_strided_slice %rsqrt3A {offsets = [0, 0], sizes = [2000, 1], strides = [1, 1]} : vector<2000x16xf32> to vector<2000x1xf32>
    %get3A_12 = arith.constant 0 : index
    %get3A_13 = arith.constant 0 : index
    %get3A_14 = vector.load %arg1[%get3A_12, %get3A_13] : memref<2000x128xf32, #tpu.memory_space<vmem>>, vector<2000x128xf32>
    %mul3A = vector.broadcast %slice3A : vector<2000x1xf32> to vector<2000x128xf32>
    %mul3A_15 = arith.mulf %mul3A, %get3A_14 : vector<2000x128xf32>
    %swap3A = arith.constant 0 : index
    %swap3A_16 = arith.constant 0 : index
    %swap3A_17 = vector.load %arg3[%swap3A, %swap3A_16] : memref<2000x128xf32, #tpu.memory_space<vmem>>, vector<2000x128xf32>
    tpu.vector_store %arg3[%swap3A, %swap3A_16], %mul3A_15 {strides = array<i32>} : memref<2000x128xf32, #tpu.memory_space<vmem>>, vector<2000x128xf32>,
    return
  }
  func.func @transform_0(%arg0: i32) -> (i32, i32) {
    %c0_i32 = arith.constant 0 : i32
    %c0_i32_0 = arith.constant 0 : i32
    return %arg0, %c0_i32 : i32, i32
  }
  func.func @transform_1(%arg0: i32) -> (i32, i32, i32) {
    %c0_i32 = arith.constant 0 : i32
    %c0_i32_0 = arith.constant 0 : i32
    %c0_i32_1 = arith.constant 0 : i32
    return %c0_i32, %arg0, %c0_i32_0 : i32, i32, i32
  }
  func.func @transform_2(%arg0: i32) -> (i32, i32) {
    %c0_i32 = arith.constant 0 : i32
    %c0_i32_0 = arith.constant 0 : i32
    return %arg0, %c0_i32 : i32, i32
  }
}

module attributes {stable_mosaic.version = 14 : i64} {
  func.func @_tc_b_body(%arg0: i32, %arg1: memref<2x2000x128xf32, #tpu.memory_space<vmem>>, %arg2: memref<2000x128xf32, #tpu.memory_space<vmem>>, %arg3: memref<2x2000x16xf32, #tpu.memory_space<vmem>>, %arg4: memref<1x128xf32, #tpu.memory_space<vmem>>, %arg5: memref<128x128xf32, #tpu.memory_space<vmem>>, %arg6: memref<2000x128xf32, #tpu.memory_space<vmem>>) attributes {dimension_semantics = [#tpu.dimension_semantics<arbitrary>], iteration_bounds = array<i64: 5>, scalar_prefetch = 0 : i64, scratch_operands = 0 : i64, tpu.core_type = #tpu.core_type<tc>, window_params = [{transform_indices = @transform_0, window_bounds = array<i64: 2, 2000, 128>}, {transform_indices = @transform_1, window_bounds = array<i64: 2000, 128>}, {transform_indices = @transform_2, window_bounds = array<i64: 2, 2000, 16>}, {pipeline_mode = #tpu.pipeline_mode<synchronous>, transform_indices = @transform_3, window_bounds = array<i64: 1, 128>}, {pipeline_mode = #tpu.pipeline_mode<synchronous>, transform_indices = @transform_4, window_bounds = array<i64: 128, 128>}, {transform_indices = @transform_5, window_bounds = array<i64: 2000, 128>}]} {
    %get3A = arith.constant 0 : index
    %get3A_0 = arith.constant 0 : index
    %get3A_1 = arith.constant 0 : index
    %get3A_2 = vector.load %arg3[%get3A, %get3A_0, %get3A_1] : memref<2x2000x16xf32, #tpu.memory_space<vmem>>, vector<1x2000x16xf32>
    %get3A_3 = vector.shape_cast %get3A_2 : vector<1x2000x16xf32> to vector<2000x16xf32>
    %get3A_4 = arith.constant 1 : index
    %get3A_5 = arith.constant 0 : index
    %get3A_6 = arith.constant 0 : index
    %get3A_7 = vector.load %arg3[%get3A_4, %get3A_5, %get3A_6] : memref<2x2000x16xf32, #tpu.memory_space<vmem>>, vector<1x2000x16xf32>
    %get3A_8 = vector.shape_cast %get3A_7 : vector<1x2000x16xf32> to vector<2000x16xf32>
    %add3A = arith.addf %get3A_3, %get3A_8 : vector<2000x16xf32>
    %add3A_9 = arith.constant 1.000000e+00 : f32
    %add3A_10 = vector.broadcast %add3A_9 : f32 to vector<2000x16xf32>
    %add3A_11 = arith.addf %add3A, %add3A_10 : vector<2000x16xf32>
    %rsqrt3A = math.rsqrt %add3A_11 : vector<2000x16xf32>
    %slice3A = vector.extract_strided_slice %rsqrt3A {offsets = [0, 0], sizes = [2000, 1], strides = [1, 1]} : vector<2000x16xf32> to vector<2000x1xf32>
    %get3A_12 = arith.constant 0 : index
    %get3A_13 = arith.constant 0 : index
    %get3A_14 = arith.constant 0 : index
    %get3A_15 = vector.load %arg1[%get3A_12, %get3A_13, %get3A_14] : memref<2x2000x128xf32, #tpu.memory_space<vmem>>, vector<1x2000x128xf32>
    %get3A_16 = vector.shape_cast %get3A_15 : vector<1x2000x128xf32> to vector<2000x128xf32>
    %get3A_17 = arith.constant 1 : index
    %get3A_18 = arith.constant 0 : index
    %get3A_19 = arith.constant 0 : index
    %get3A_20 = vector.load %arg1[%get3A_17, %get3A_18, %get3A_19] : memref<2x2000x128xf32, #tpu.memory_space<vmem>>, vector<1x2000x128xf32>
    %get3A_21 = vector.shape_cast %get3A_20 : vector<1x2000x128xf32> to vector<2000x128xf32>
    %add3A_22 = arith.addf %get3A_16, %get3A_21 : vector<2000x128xf32>
    %get3A_23 = arith.constant 0 : index
    %get3A_24 = arith.constant 0 : index
    %get3A_25 = vector.load %arg2[%get3A_23, %get3A_24] : memref<2000x128xf32, #tpu.memory_space<vmem>>, vector<2000x128xf32>
    %add3A_26 = arith.addf %add3A_22, %get3A_25 : vector<2000x128xf32>
    %mul3A = vector.broadcast %slice3A : vector<2000x1xf32> to vector<2000x128xf32>
    %mul3A_27 = arith.mulf %mul3A, %add3A_26 : vector<2000x128xf32>
    %get3A_28 = arith.constant 0 : index
    %get3A_29 = arith.constant 0 : index
    %get3A_30 = vector.load %arg4[%get3A_28, %get3A_29] : memref<1x128xf32, #tpu.memory_space<vmem>>, vector<1x128xf32>
    %add3A_31 = vector.broadcast %get3A_30 : vector<1x128xf32> to vector<2000x128xf32>
    %add3A_32 = arith.addf %mul3A_27, %add3A_31 : vector<2000x128xf32>
    %max3A = arith.constant 0.000000e+00 : f32
    %max3A_33 = vector.broadcast %max3A : f32 to vector<2000x128xf32>
    %max3A_34 = arith.maximumf %add3A_32, %max3A_33 : vector<2000x128xf32>
    %get3A_35 = arith.constant 0 : index
    %get3A_36 = arith.constant 0 : index
    %get3A_37 = vector.load %arg5[%get3A_35, %get3A_36] : memref<128x128xf32, #tpu.memory_space<vmem>>, vector<128x128xf32>
    %dot_general3A = arith.constant dense<0.000000e+00> : vector<2000x128xf32>
    %dot_general3A_38 = tpu.matmul %max3A_34, %get3A_37, %dot_general3A {dimension_numbers = #tpu.dot_dimension_numbers<[1], [0], [0], [1], [0, 0, 1, 1], [], []>, transpose_lhs_hint = false} : vector<2000x128xf32>, vector<128x128xf32>, vector<2000x128xf32> -> vector<2000x128xf32>
    %mul3A_39 = vector.broadcast %slice3A : vector<2000x1xf32> to vector<2000x128xf32>
    %mul3A_40 = arith.mulf %mul3A_39, %dot_general3A_38 : vector<2000x128xf32>
    %swap3A = arith.constant 0 : index
    %swap3A_41 = arith.constant 0 : index
    %swap3A_42 = vector.load %arg6[%swap3A, %swap3A_41] : memref<2000x128xf32, #tpu.memory_space<vmem>>, vector<2000x128xf32>
    tpu.vector_store %arg6[%swap3A, %swap3A_41], %mul3A_40 {strides = array<i32>} : memref<2000x128xf32, #tpu.memory_space<vmem>>, vector<2000x128xf32>,
    return
  }
  func.func @transform_0(%arg0: i32) -> (i32, i32, i32) {
    %c0_i32 = arith.constant 0 : i32
    %c0_i32_0 = arith.constant 0 : i32
    %c0_i32_1 = arith.constant 0 : i32
    return %c0_i32, %arg0, %c0_i32_0 : i32, i32, i32
  }
  func.func @transform_1(%arg0: i32) -> (i32, i32) {
    %c0_i32 = arith.constant 0 : i32
    %c0_i32_0 = arith.constant 0 : i32
    return %arg0, %c0_i32 : i32, i32
  }
  func.func @transform_2(%arg0: i32) -> (i32, i32, i32) {
    %c0_i32 = arith.constant 0 : i32
    %c0_i32_0 = arith.constant 0 : i32
    %c0_i32_1 = arith.constant 0 : i32
    return %c0_i32, %arg0, %c0_i32_0 : i32, i32, i32
  }
  func.func @transform_3(%arg0: i32) -> (i32, i32) {
    %c0_i32 = arith.constant 0 : i32
    %c0_i32_0 = arith.constant 0 : i32
    %c0_i32_1 = arith.constant 0 : i32
    return %c0_i32, %c0_i32_0 : i32, i32
  }
  func.func @transform_4(%arg0: i32) -> (i32, i32) {
    %c0_i32 = arith.constant 0 : i32
    %c0_i32_0 = arith.constant 0 : i32
    %c0_i32_1 = arith.constant 0 : i32
    return %c0_i32, %c0_i32_0 : i32, i32
  }
  func.func @transform_5(%arg0: i32) -> (i32, i32) {
    %c0_i32 = arith.constant 0 : i32
    %c0_i32_0 = arith.constant 0 : i32
    return %arg0, %c0_i32 : i32, i32
  }
}

module attributes {stable_mosaic.version = 14 : i64} {
  func.func @_tc_c_body(%arg0: i32, %arg1: memref<2x2000x128xf32, #tpu.memory_space<vmem>>, %arg2: memref<2000x128xf32, #tpu.memory_space<vmem>>, %arg3: memref<2x2000x16xf32, #tpu.memory_space<vmem>>, %arg4: memref<1x128xf32, #tpu.memory_space<vmem>>, %arg5: memref<2000x128xf32, #tpu.memory_space<vmem>>, %arg6: memref<2x128x128xf32, #tpu.memory_space<vmem>>, %arg7: memref<1x128xf32, #tpu.memory_space<vmem>>, %arg8: memref<2x128x128xf32, #tpu.memory_space<vmem>>, %arg9: memref<1x128xf32, #tpu.memory_space<vmem>>, %arg10: memref<2x128x128xf32, #tpu.memory_space<vmem>>, %arg11: memref<1x128xf32, #tpu.memory_space<vmem>>, %arg12: memref<2000x128xf32, #tpu.memory_space<vmem>>) attributes {dimension_semantics = [#tpu.dimension_semantics<arbitrary>], iteration_bounds = array<i64: 5>, scalar_prefetch = 0 : i64, scratch_operands = 0 : i64, tpu.core_type = #tpu.core_type<tc>, window_params = [{transform_indices = @transform_0, window_bounds = array<i64: 2, 2000, 128>}, {transform_indices = @transform_1, window_bounds = array<i64: 2000, 128>}, {transform_indices = @transform_2, window_bounds = array<i64: 2, 2000, 16>}, {pipeline_mode = #tpu.pipeline_mode<synchronous>, transform_indices = @transform_3, window_bounds = array<i64: 1, 128>}, {transform_indices = @transform_4, window_bounds = array<i64: 2000, 128>}, {pipeline_mode = #tpu.pipeline_mode<synchronous>, transform_indices = @transform_5, window_bounds = array<i64: 2, 128, 128>}, {pipeline_mode = #tpu.pipeline_mode<synchronous>, transform_indices = @transform_6, window_bounds = array<i64: 1, 128>}, {pipeline_mode = #tpu.pipeline_mode<synchronous>, transform_indices = @transform_7, window_bounds = array<i64: 2, 128, 128>}, {pipeline_mode = #tpu.pipeline_mode<synchronous>, transform_indices = @transform_8, window_bounds = array<i64: 1, 128>}, {pipeline_mode = #tpu.pipeline_mode<synchronous>, transform_indices = @transform_9, window_bounds = array<i64: 2, 128, 128>}, {pipeline_mode = #tpu.pipeline_mode<synchronous>, transform_indices = @transform_10, window_bounds = array<i64: 1, 128>}, {transform_indices = @transform_11, window_bounds = array<i64: 2000, 128>}]} {
    %get3A = arith.constant 0 : index
    %get3A_0 = arith.constant 0 : index
    %get3A_1 = arith.constant 0 : index
    %get3A_2 = vector.load %arg3[%get3A, %get3A_0, %get3A_1] : memref<2x2000x16xf32, #tpu.memory_space<vmem>>, vector<1x2000x16xf32>
    %get3A_3 = vector.shape_cast %get3A_2 : vector<1x2000x16xf32> to vector<2000x16xf32>
    %get3A_4 = arith.constant 1 : index
    %get3A_5 = arith.constant 0 : index
    %get3A_6 = arith.constant 0 : index
    %get3A_7 = vector.load %arg3[%get3A_4, %get3A_5, %get3A_6] : memref<2x2000x16xf32, #tpu.memory_space<vmem>>, vector<1x2000x16xf32>
    %get3A_8 = vector.shape_cast %get3A_7 : vector<1x2000x16xf32> to vector<2000x16xf32>
    %add3A = arith.addf %get3A_3, %get3A_8 : vector<2000x16xf32>
    %add3A_9 = arith.constant 1.000000e+00 : f32
    %add3A_10 = vector.broadcast %add3A_9 : f32 to vector<2000x16xf32>
    %add3A_11 = arith.addf %add3A, %add3A_10 : vector<2000x16xf32>
    %rsqrt3A = math.rsqrt %add3A_11 : vector<2000x16xf32>
    %slice3A = vector.extract_strided_slice %rsqrt3A {offsets = [0, 0], sizes = [2000, 1], strides = [1, 1]} : vector<2000x16xf32> to vector<2000x1xf32>
    %get3A_12 = arith.constant 0 : index
    %get3A_13 = arith.constant 0 : index
    %get3A_14 = arith.constant 0 : index
    %get3A_15 = vector.load %arg1[%get3A_12, %get3A_13, %get3A_14] : memref<2x2000x128xf32, #tpu.memory_space<vmem>>, vector<1x2000x128xf32>
    %get3A_16 = vector.shape_cast %get3A_15 : vector<1x2000x128xf32> to vector<2000x128xf32>
    %get3A_17 = arith.constant 1 : index
    %get3A_18 = arith.constant 0 : index
    %get3A_19 = arith.constant 0 : index
    %get3A_20 = vector.load %arg1[%get3A_17, %get3A_18, %get3A_19] : memref<2x2000x128xf32, #tpu.memory_space<vmem>>, vector<1x2000x128xf32>
    %get3A_21 = vector.shape_cast %get3A_20 : vector<1x2000x128xf32> to vector<2000x128xf32>
    %add3A_22 = arith.addf %get3A_16, %get3A_21 : vector<2000x128xf32>
    %get3A_23 = arith.constant 0 : index
    %get3A_24 = arith.constant 0 : index
    %get3A_25 = vector.load %arg2[%get3A_23, %get3A_24] : memref<2000x128xf32, #tpu.memory_space<vmem>>, vector<2000x128xf32>
    %add3A_26 = arith.addf %add3A_22, %get3A_25 : vector<2000x128xf32>
    %mul3A = vector.broadcast %slice3A : vector<2000x1xf32> to vector<2000x128xf32>
    %mul3A_27 = arith.mulf %mul3A, %add3A_26 : vector<2000x128xf32>
    %get3A_28 = arith.constant 0 : index
    %get3A_29 = arith.constant 0 : index
    %get3A_30 = vector.load %arg4[%get3A_28, %get3A_29] : memref<1x128xf32, #tpu.memory_space<vmem>>, vector<1x128xf32>
    %add3A_31 = vector.broadcast %get3A_30 : vector<1x128xf32> to vector<2000x128xf32>
    %add3A_32 = arith.addf %mul3A_27, %add3A_31 : vector<2000x128xf32>
    %get3A_33 = arith.constant 0 : index
    %get3A_34 = arith.constant 0 : index
    %get3A_35 = vector.load %arg5[%get3A_33, %get3A_34] : memref<2000x128xf32, #tpu.memory_space<vmem>>, vector<2000x128xf32>
    %get3A_36 = arith.constant 0 : index
    %get3A_37 = arith.constant 0 : index
    %get3A_38 = arith.constant 0 : index
    %get3A_39 = vector.load %arg6[%get3A_36, %get3A_37, %get3A_38] : memref<2x128x128xf32, #tpu.memory_space<vmem>>, vector<1x128x128xf32>
    %get3A_40 = vector.shape_cast %get3A_39 : vector<1x128x128xf32> to vector<128x128xf32>
    %dot_general3A = arith.constant dense<0.000000e+00> : vector<2000x128xf32>
    %dot_general3A_41 = tpu.matmul %add3A_32, %get3A_40, %dot_general3A {dimension_numbers = #tpu.dot_dimension_numbers<[1], [0], [0], [1], [0, 0, 1, 1], [], []>, transpose_lhs_hint = false} : vector<2000x128xf32>, vector<128x128xf32>, vector<2000x128xf32> -> vector<2000x128xf32>
    %get3A_42 = arith.constant 1 : index
    %get3A_43 = arith.constant 0 : index
    %get3A_44 = arith.constant 0 : index
    %get3A_45 = vector.load %arg6[%get3A_42, %get3A_43, %get3A_44] : memref<2x128x128xf32, #tpu.memory_space<vmem>>, vector<1x128x128xf32>
    %get3A_46 = vector.shape_cast %get3A_45 : vector<1x128x128xf32> to vector<128x128xf32>
    %dot_general3A_47 = arith.constant dense<0.000000e+00> : vector<2000x128xf32>
    %dot_general3A_48 = tpu.matmul %get3A_35, %get3A_46, %dot_general3A_47 {dimension_numbers = #tpu.dot_dimension_numbers<[1], [0], [0], [1], [0, 0, 1, 1], [], []>, transpose_lhs_hint = false} : vector<2000x128xf32>, vector<128x128xf32>, vector<2000x128xf32> -> vector<2000x128xf32>
    %add3A_49 = arith.addf %dot_general3A_41, %dot_general3A_48 : vector<2000x128xf32>
    %get3A_50 = arith.constant 0 : index
    %get3A_51 = arith.constant 0 : index
    %get3A_52 = vector.load %arg7[%get3A_50, %get3A_51] : memref<1x128xf32, #tpu.memory_space<vmem>>, vector<1x128xf32>
    %add3A_53 = vector.broadcast %get3A_52 : vector<1x128xf32> to vector<2000x128xf32>
    %add3A_54 = arith.addf %add3A_49, %add3A_53 : vector<2000x128xf32>
    %logistic3A = arith.negf %add3A_54 : vector<2000x128xf32>
    %logistic3A_55 = math.exp %logistic3A : vector<2000x128xf32>
    %logistic3A_56 = arith.constant 1.000000e+00 : f32
    %logistic3A_57 = vector.broadcast %logistic3A_56 : f32 to vector<2000x128xf32>
    %logistic3A_58 = arith.addf %logistic3A_57, %logistic3A_55 : vector<2000x128xf32>
    %logistic3A_59 = arith.divf %logistic3A_57, %logistic3A_58 : vector<2000x128xf32>
    %get3A_60 = arith.constant 0 : index
    %get3A_61 = arith.constant 0 : index
    %get3A_62 = arith.constant 0 : index
    %get3A_63 = vector.load %arg8[%get3A_60, %get3A_61, %get3A_62] : memref<2x128x128xf32, #tpu.memory_space<vmem>>, vector<1x128x128xf32>
    %get3A_64 = vector.shape_cast %get3A_63 : vector<1x128x128xf32> to vector<128x128xf32>
    %dot_general3A_65 = arith.constant dense<0.000000e+00> : vector<2000x128xf32>
    %dot_general3A_66 = tpu.matmul %add3A_32, %get3A_64, %dot_general3A_65 {dimension_numbers = #tpu.dot_dimension_numbers<[1], [0], [0], [1], [0, 0, 1, 1], [], []>, transpose_lhs_hint = false} : vector<2000x128xf32>, vector<128x128xf32>, vector<2000x128xf32> -> vector<2000x128xf32>
    %get3A_67 = arith.constant 1 : index
    %get3A_68 = arith.constant 0 : index
    %get3A_69 = arith.constant 0 : index
    %get3A_70 = vector.load %arg8[%get3A_67, %get3A_68, %get3A_69] : memref<2x128x128xf32, #tpu.memory_space<vmem>>, vector<1x128x128xf32>
    %get3A_71 = vector.shape_cast %get3A_70 : vector<1x128x128xf32> to vector<128x128xf32>
    %dot_general3A_72 = arith.constant dense<0.000000e+00> : vector<2000x128xf32>
    %dot_general3A_73 = tpu.matmul %get3A_35, %get3A_71, %dot_general3A_72 {dimension_numbers = #tpu.dot_dimension_numbers<[1], [0], [0], [1], [0, 0, 1, 1], [], []>, transpose_lhs_hint = false} : vector<2000x128xf32>, vector<128x128xf32>, vector<2000x128xf32> -> vector<2000x128xf32>
    %add3A_74 = arith.addf %dot_general3A_66, %dot_general3A_73 : vector<2000x128xf32>
    %get3A_75 = arith.constant 0 : index
    %get3A_76 = arith.constant 0 : index
    %get3A_77 = vector.load %arg9[%get3A_75, %get3A_76] : memref<1x128xf32, #tpu.memory_space<vmem>>, vector<1x128xf32>
    %add3A_78 = vector.broadcast %get3A_77 : vector<1x128xf32> to vector<2000x128xf32>
    %add3A_79 = arith.addf %add3A_74, %add3A_78 : vector<2000x128xf32>
    %logistic3A_80 = arith.negf %add3A_79 : vector<2000x128xf32>
    %logistic3A_81 = math.exp %logistic3A_80 : vector<2000x128xf32>
    %logistic3A_82 = arith.constant 1.000000e+00 : f32
    %logistic3A_83 = vector.broadcast %logistic3A_82 : f32 to vector<2000x128xf32>
    %logistic3A_84 = arith.addf %logistic3A_83, %logistic3A_81 : vector<2000x128xf32>
    %logistic3A_85 = arith.divf %logistic3A_83, %logistic3A_84 : vector<2000x128xf32>
    %mul3A_86 = arith.mulf %logistic3A_85, %get3A_35 : vector<2000x128xf32>
    %get3A_87 = arith.constant 0 : index
    %get3A_88 = arith.constant 0 : index
    %get3A_89 = arith.constant 0 : index
    %get3A_90 = vector.load %arg10[%get3A_87, %get3A_88, %get3A_89] : memref<2x128x128xf32, #tpu.memory_space<vmem>>, vector<1x128x128xf32>
    %get3A_91 = vector.shape_cast %get3A_90 : vector<1x128x128xf32> to vector<128x128xf32>
    %dot_general3A_92 = arith.constant dense<0.000000e+00> : vector<2000x128xf32>
    %dot_general3A_93 = tpu.matmul %add3A_32, %get3A_91, %dot_general3A_92 {dimension_numbers = #tpu.dot_dimension_numbers<[1], [0], [0], [1], [0, 0, 1, 1], [], []>, transpose_lhs_hint = false} : vector<2000x128xf32>, vector<128x128xf32>, vector<2000x128xf32> -> vector<2000x128xf32>
    %get3A_94 = arith.constant 1 : index
    %get3A_95 = arith.constant 0 : index
    %get3A_96 = arith.constant 0 : index
    %get3A_97 = vector.load %arg10[%get3A_94, %get3A_95, %get3A_96] : memref<2x128x128xf32, #tpu.memory_space<vmem>>, vector<1x128x128xf32>
    %get3A_98 = vector.shape_cast %get3A_97 : vector<1x128x128xf32> to vector<128x128xf32>
    %dot_general3A_99 = arith.constant dense<0.000000e+00> : vector<2000x128xf32>
    %dot_general3A_100 = tpu.matmul %mul3A_86, %get3A_98, %dot_general3A_99 {dimension_numbers = #tpu.dot_dimension_numbers<[1], [0], [0], [1], [0, 0, 1, 1], [], []>, transpose_lhs_hint = false} : vector<2000x128xf32>, vector<128x128xf32>, vector<2000x128xf32> -> vector<2000x128xf32>
    %add3A_101 = arith.addf %dot_general3A_93, %dot_general3A_100 : vector<2000x128xf32>
    %get3A_102 = arith.constant 0 : index
    %get3A_103 = arith.constant 0 : index
    %get3A_104 = vector.load %arg11[%get3A_102, %get3A_103] : memref<1x128xf32, #tpu.memory_space<vmem>>, vector<1x128xf32>
    %add3A_105 = vector.broadcast %get3A_104 : vector<1x128xf32> to vector<2000x128xf32>
    %add3A_106 = arith.addf %add3A_101, %add3A_105 : vector<2000x128xf32>
    %tanh3A = math.tanh %add3A_106 : vector<2000x128xf32>
    %sub3A = arith.subf %tanh3A, %get3A_35 : vector<2000x128xf32>
    %mul3A_107 = arith.mulf %logistic3A_59, %sub3A : vector<2000x128xf32>
    %add3A_108 = arith.addf %get3A_35, %mul3A_107 : vector<2000x128xf32>
    %swap3A = arith.constant 0 : index
    %swap3A_109 = arith.constant 0 : index
    %swap3A_110 = vector.load %arg12[%swap3A, %swap3A_109] : memref<2000x128xf32, #tpu.memory_space<vmem>>, vector<2000x128xf32>
    tpu.vector_store %arg12[%swap3A, %swap3A_109], %add3A_108 {strides = array<i32>} : memref<2000x128xf32, #tpu.memory_space<vmem>>, vector<2000x128xf32>,
    return
  }
  func.func @transform_0(%arg0: i32) -> (i32, i32, i32) {
    %c0_i32 = arith.constant 0 : i32
    %c0_i32_0 = arith.constant 0 : i32
    %c0_i32_1 = arith.constant 0 : i32
    return %c0_i32, %arg0, %c0_i32_0 : i32, i32, i32
  }
  func.func @transform_1(%arg0: i32) -> (i32, i32) {
    %c0_i32 = arith.constant 0 : i32
    %c0_i32_0 = arith.constant 0 : i32
    return %arg0, %c0_i32 : i32, i32
  }
  func.func @transform_2(%arg0: i32) -> (i32, i32, i32) {
    %c0_i32 = arith.constant 0 : i32
    %c0_i32_0 = arith.constant 0 : i32
    %c0_i32_1 = arith.constant 0 : i32
    return %c0_i32, %arg0, %c0_i32_0 : i32, i32, i32
  }
  func.func @transform_3(%arg0: i32) -> (i32, i32) {
    %c0_i32 = arith.constant 0 : i32
    %c0_i32_0 = arith.constant 0 : i32
    %c0_i32_1 = arith.constant 0 : i32
    return %c0_i32, %c0_i32_0 : i32, i32
  }
  func.func @transform_4(%arg0: i32) -> (i32, i32) {
    %c0_i32 = arith.constant 0 : i32
    %c0_i32_0 = arith.constant 0 : i32
    return %arg0, %c0_i32 : i32, i32
  }
  func.func @transform_5(%arg0: i32) -> (i32, i32, i32) {
    %c0_i32 = arith.constant 0 : i32
    %c0_i32_0 = arith.constant 0 : i32
    %c0_i32_1 = arith.constant 0 : i32
    %c0_i32_2 = arith.constant 0 : i32
    return %c0_i32, %c0_i32_0, %c0_i32_1 : i32, i32, i32
  }
  func.func @transform_6(%arg0: i32) -> (i32, i32) {
    %c0_i32 = arith.constant 0 : i32
    %c0_i32_0 = arith.constant 0 : i32
    %c0_i32_1 = arith.constant 0 : i32
    return %c0_i32, %c0_i32_0 : i32, i32
  }
  func.func @transform_7(%arg0: i32) -> (i32, i32, i32) {
    %c0_i32 = arith.constant 0 : i32
    %c0_i32_0 = arith.constant 0 : i32
    %c0_i32_1 = arith.constant 0 : i32
    %c0_i32_2 = arith.constant 0 : i32
    return %c0_i32, %c0_i32_0, %c0_i32_1 : i32, i32, i32
  }
  func.func @transform_8(%arg0: i32) -> (i32, i32) {
    %c0_i32 = arith.constant 0 : i32
    %c0_i32_0 = arith.constant 0 : i32
    %c0_i32_1 = arith.constant 0 : i32
    return %c0_i32, %c0_i32_0 : i32, i32
  }
  func.func @transform_9(%arg0: i32) -> (i32, i32, i32) {
    %c0_i32 = arith.constant 0 : i32
    %c0_i32_0 = arith.constant 0 : i32
    %c0_i32_1 = arith.constant 0 : i32
    %c0_i32_2 = arith.constant 0 : i32
    return %c0_i32, %c0_i32_0, %c0_i32_1 : i32, i32, i32
  }
  func.func @transform_10(%arg0: i32) -> (i32, i32) {
    %c0_i32 = arith.constant 0 : i32
    %c0_i32_0 = arith.constant 0 : i32
    %c0_i32_1 = arith.constant 0 : i32
    return %c0_i32, %c0_i32_0 : i32, i32
  }
  func.func @transform_11(%arg0: i32) -> (i32, i32) {
    %c0_i32 = arith.constant 0 : i32
    %c0_i32_0 = arith.constant 0 : i32
    return %arg0, %c0_i32 : i32, i32
  }
}

</mosaic_0001>

<sc_bundles>
// kernel: kernel.12.cloned.1.call-start
scs
__scs_entry_jumppad:
0x0: {  	(pc) =	sbr.rel $0x88, $3  }
0x1: {  	(tag) =	ssettag $0x0;
	lr =	simm.s32 $0x1  }
0x2: {  	[smem:$0x3F94] =	sst lr;
	_ =	strace $0xD0000000  }
0x3: {  	_ = 	snop  }
0x4: {  	_ = 	snop  }
0x5: {  	_ = 	snop  }
0x6: {  	_ = 	snop  }
0x7: {  	_ = 	snop  }
__scs_overlays_trampoline_lowered:
0x8: {  	[smem:$0x3FA3] =	sst s0  }
0x9: {  	[smem:$0x3FA4] =	sst s1  }
0xa: {  	[smem:$0x3FA5] =	sst s2  }
0xb: {  	[smem:$0x3FA6] =	sst s3  }
0xc: {  	[smem:$0x3FA7] =	sst s4  }
0xd: {  	[smem:$0x3FA8] =	sst s5  }
0xe: {  	[smem:$0x3FA9] =	sst s6  }
0xf: {  	[smem:$0x3FAA] =	sst s7  }
0x10: {  	[smem:$0x3FAB] =	sst s8  }
0x11: {  	[smem:$0x3FAC] =	sst s9;
	s0 =	simm.s32 @!p0 $0x0  }
0x12: {  	s1 =	sld [smem:$0x3F92];
	s0 =	simm.s32 @p0 $0x1  }
0x13: {  	[smem:$0x3FAD] =	sst s0;
	s0 =	simm.s32 @!p1 $0x0  }
0x14: {  	s2 =	sld [smem:$0x3F91];
	s0 =	simm.s32 @p1 $0x1  }
0x15: {  	[smem:$0x3FAE] =	sst s0;
	s0 =	simm.s32 @!p2 $0x0  }
0x16: {  	s3 =	sld [smem:$0x3FDB];
	s0 =	simm.s32 @p2 $0x1  }
0x17: {  	s4 =	simm.s32 $0x1BF5;
	[smem:$0x3FB0] =	sst s0  }
0x18: {  	s0 =	sld [smem:$0x3F93];
	_ =	swait.ge [sflag:s4], $0x0  }
0x19: {  	s7 =	sld [smem:$0x3F94]  }
0x1a: {  	s8 =	sadd.s32 $0xFFFFE003, lr  }
0x1b: {  	s9 =	sadd.s32 $0xFFFFFEF7, lr;
	s5 =	simm.s32 $0xFFFFFFFF;
	p2 =	slt.u32 s8, $0xFFFFF086  }
0x1c: {  	p1 =	slt.u32 s9, $0xF7A;
	s5 =	simm.s32 @!p2 $0x0  }
0x1d: {  	s5 =	simm.s32 @p1 $0x1;
	p0 =	seq.s32 s7, s2  }
0x1e: {  	s7 =	smul.u32 @!p0 $0xF7A, s2;
	p2 =	seq.s32 @!p0 s5, $0x0  }
0x1f: {  	s9 =	smul.u32 $0xF7A, s1;
	s8 =	simm.s32 @!p0 $0x1BF5;
	p2 =	por !p2, p0  }
0x20: {  	[sflag:s8] =	ssyncset.s32 @!p0 $0xFFFFF086;
	s6 =	sadd.s32 @!p0 s3, s7;
	s7 =	simm.s32 @!p0 $0x108  }
0x21: {  	s3 =	sadd.s32 s3, s9;
	s6 =	sadd.s32 @!p0 $0x88, s6;
	s7 =	simm.s32 @p2 $0x1082  }
0x22: {  	[simem:s7], [sflag:s8] =	dma.local @!p0 [hbm:s6], $0xF7A  }
0x23: {  	s9 =	sor.u32 $0xD0000000, s2;
	s6 =	simm.s32 $0x108;
	_ =	swait.ge @!p0 [sflag:s8], $0x0  }
0x24: {  	s3 =	sadd.s32 $0x88, s3;
	s6 =	simm.s32 @!p1 $0x1082;
	[sflag:s4] =	ssyncset.s32 $0xFFFFF086  }
0x25: {  	[simem:s6], [sflag:s4] =	dma.local [hbm:s3], $0xF7A  }
0x26: {  	[smem:$0x3F94] =	sst s1;
	(tag) =	ssettag s2;
	_ =	strace s9  }
0x27: {  	s1 =	sld [smem:$0x3FA4]  }
0x28: {  	s2 =	sld [smem:$0x3FA5]  }
0x29: {  	s4 =	sld [smem:$0x3FA7]  }
0x2a: {  	p0 =	seq.s32 s5, $0x0;
	s5 =	sld [smem:$0x3FA8]  }
0x2b: {  	s6 =	sld [smem:$0x3FA9]  }
0x2c: {  	s7 =	sld [smem:$0x3FAA]  }
0x2d: {  	s3 =	simm.s32 $0x108;
	s8 =	sld [smem:$0x3FAB]  }
0x2e: {  	s3 =	simm.s32 @!p0 $0x1082;
	s9 =	sld [smem:$0x3FAC]  }
0x2f: {  	lr =	sadd.s32 s0, s3;
	s0 =	sld [smem:$0x3FA3]  }
0x30: {  	s3 =	sld [smem:$0x3FA6]  }
0x31: {  	[smem:$0x3FAF] =	sst s10  }
0x32: {  	s10 =	sld [smem:$0x3FAD];
	_ =	sdelay $0x3  }
0x33: {  	p0 =	seq.s32 s10, $0x1;
	s10 =	sld [smem:$0x3FAF];
	_ =	sdelay $0x3  }
0x34: {  	[smem:$0x3FAF] =	sst s10  }
0x35: {  	s10 =	sld [smem:$0x3FAE];
	_ =	sdelay $0x3  }
0x36: {  	p1 =	seq.s32 s10, $0x1;
	s10 =	sld [smem:$0x3FAF];
	_ =	sdelay $0x3  }
0x37: {  	[smem:$0x3FAF] =	sst s10  }
0x38: {  	s10 =	sld [smem:$0x3FB0]  }
0x39: {  	_ = 	snop;
	(pc) =	sbr.ind lr, $3  }
0x3a: {  	_ = 	snop  }
0x3b: {  	_ = 	snop  }
0x3c: {  	p2 =	seq.s32 s10, $0x1;
	s10 =	sld [smem:$0x3FAF]  }
0x3d: {  	_ =	shalt  }
0x3e: {  	_ =	shalt  }
0x3f: {  	_ =	shalt  }
0x40: {  	_ =	shalt  }
0x41: {  	_ =	shalt  }
0x42: {  	_ =	shalt  }
0x43: {  	_ =	shalt  }
0x44: {  	_ =	shalt  }
0x45: {  	_ =	shalt  }
0x46: {  	_ =	shalt  }
0x47: {  	_ =	shalt  }
0x48: {  	_ =	shalt  }
0x49: {  	_ =	shalt  }
0x4a: {  	_ =	shalt  }
0x4b: {  	_ =	shalt  }
0x4c: {  	_ =	shalt  }
0x4d: {  	_ =	shalt  }
0x4e: {  	_ =	shalt  }
0x4f: {  	_ =	shalt  }
0x50: {  	_ =	shalt  }
0x51: {  	_ =	shalt  }
0x52: {  	_ =	shalt  }
0x53: {  	_ =	shalt  }
0x54: {  	_ =	shalt  }
0x55: {  	_ =	shalt  }
0x56: {  	_ =	shalt  }
0x57: {  	_ =	shalt  }
0x58: {  	_ =	shalt  }
0x59: {  	_ =	shalt  }
0x5a: {  	_ =	shalt  }
0x5b: {  	_ =	shalt  }
0x5c: {  	_ =	shalt  }
0x5d: {  	_ =	shalt  }
0x5e: {  	_ =	shalt  }
0x5f: {  	_ =	shalt  }
0x60: {  	_ =	shalt  }
0x61: {  	_ =	shalt  }
0x62: {  	_ =	shalt  }
0x63: {  	_ =	shalt  }
0x64: {  	_ =	shalt  }
0x65: {  	_ =	shalt  }
0x66: {  	_ =	shalt  }
0x67: {  	_ =	shalt  }
0x68: {  	_ =	shalt  }
0x69: {  	_ =	shalt  }
0x6a: {  	_ =	shalt  }
0x6b: {  	_ =	shalt  }
0x6c: {  	_ =	shalt  }
0x6d: {  	_ =	shalt  }
0x6e: {  	_ =	shalt  }
0x6f: {  	_ =	shalt  }
0x70: {  	_ =	shalt  }
0x71: {  	_ =	shalt  }
0x72: {  	_ =	shalt  }
0x73: {  	_ =	shalt  }
0x74: {  	_ =	shalt  }
0x75: {  	_ =	shalt  }
0x76: {  	_ =	shalt  }
0x77: {  	_ =	shalt  }
0x78: {  	_ =	shalt  }
0x79: {  	_ =	shalt  }
0x7a: {  	_ =	shalt  }
0x7b: {  	_ =	shalt  }
0x7c: {  	_ =	shalt  }
0x7d: {  	_ =	shalt  }
0x7e: {  	_ =	shalt  }
0x7f: {  	_ =	shalt  }
0x80: {  	_ =	shalt  }
0x81: {  	_ =	shalt  }
0x82: {  	_ =	shalt  }
0x83: {  	_ =	shalt  }
0x84: {  	_ =	shalt  }
0x85: {  	_ =	shalt  }
0x86: {  	_ =	shalt  }
0x87: {  	_ =	shalt  }
.Lfunc_end0:
.L_simem_size_0:
called_computation.1_lowered:
.L_overlay_start_0:
0x88: {  	s2 =	sld [smem:$0x3FD9]  }
0x89: {  	s3 =	sld [smem:$0x3FFE];
	_ =	sdelay $0x1  }
0x8a: {  	s1 =	srdreg.scid  }
0x8b: {  	s0 =	sand.u32 $0x1, s1  }
0x8c: {  	s17 =	sshll.u32 s0, $0xA;
	s2 =	sadd.s32 s3, s2  }
0x8d: {  	s2 =	sadd.s32 s2, s17  }
0x8e: {  	[smem:$0x3FBB] =	sst s2  }
0x8f: {  	_ = 	snop  }
0x90: {  	s2 =	sld [smem:$0x3FD0];
	(tm) =	ssettm $0x1  }
0x91: {  	s18 =	sld [smem:$0x3FFB];
	_ =	sdelay $0x3  }
0x92: {  	_ =	strace s18  }
0x93: {  	s3 =	sld [smem:$0x3FFC];
	_ =	sdelay $0x3  }
0x94: {  	_ =	strace s3  }
0x95: {  	s3 =	sld [smem:$0x3FFD];
	_ =	sdelay $0x3  }
0x96: {  	_ =	strace s3  }
0x97: {  	_ =	strace $0x8FFFFFFF  }
0x98: {  	s19 =	sld [smem:$0x3FDB];
	_ =	sdelay $0x1  }
0x99: {  	s4 =	simm.s32 $_scs_section_size  }
0x9a: {  	s5 =	simm.s32 $_size__tile_overlayer_lowered;
	s6 =	simm.s32 $_tile_overlayer_lowered  }
0x9b: {  	s22 =	simm.s32 $0x1BFF;
	s21 =	sshll.u32 s6, $0x1;
	s3 =	sadd.s32 s4, s19  }
0x9c: {  	s7 =	simm.s32 $0x0;
	s20 =	sshll.u32 s5, $0x1;
	s5 =	sadd.s32 s21, s3  }
0x9d: {  	[timem:s7], [sflag:s22] =	dma.local [hbm:s5], s20  }
0x9e: {  	_ =	swait.ge [sflag:s22], s20  }
0x9f: {  	s4 =	ssub.s32 $0x0, s20;
	[sflag:s22] =	ssyncset.done $0x0  }
0xa0: {  	[sflag:s22] =	ssyncadd.s32 s4;
	_ =	sdelay $0x1  }
0xa1: {  	s23 =	simm.s32 $0x1B8B  }
0xa2: {  	_ =	swait.ge [sflag:s23], $0x1  }
0xa3: {  	[sflag:s23] =	ssyncset.done $0x0  }
0xa4: {  	s25 =	simm.s32 $0x1B8E;
	s24 =	sld [smem:$0x3FFE];
	[sflag:s23] =	ssyncadd.s32 $0xFFFFFFFF  }
0xa5: {  	s26 =	simm.s32 $execute0_lowered;
	[smem:$0x3FD2] =	sst s25  }
0xa6: {  	s5 =	sshll.u32 s26, $0x1;
	_ =	strace $0x80000049;
	[dreg:$0x1] =	wrdreg $0xFFFFFFFF  }
0xa7: {  	s28 =	simm.s32 $_size_execute0_lowered;
	s3 =	sadd.s32 s3, s5;
	[dreg:$0x0] =	wrdreg $0x0  }
0xa8: {  	s5 =	sshll.u32 s28, $0x1;
	[dreg:$0x2] =	wrdreg s3  }
0xa9: {  	[dreg:$0x3] =	wrdreg s5  }
0xaa: {  	[dreg:$0x4] =	wrdreg $0xC0  }
0xab: {  	_ =	task [dreg:s7], $0x5FFFF  }
0xac: {  	[dreg:$0x1] =	wrdreg $0xFFFFFFFF  }
0xad: {  	[dreg:$0x0] =	wrdreg $0x60  }
0xae: {  	[dreg:$0x2] =	wrdreg s2  }
0xaf: {  	[dreg:$0x3] =	wrdreg s24  }
0xb0: {  	[dreg:$0x4] =	wrdreg $0xA8000  }
0xb1: {  	[dreg:$0x5] =	wrdreg $0x9  }
0xb2: {  	_ =	task.clear_ibuf [dreg:s7], $0x6FFFF;
	_ =	strace $0x90000049  }
0xb3: {  	s29 =	simm.s32 $0x9;
	_ =	strace $0x8000004B  }
0xb4: {  	_ =	swait.ge [sflag:s29], $0x1  }
0xb5: {  	[sflag:s29] =	ssyncadd.s32 $0xFFFFFFFF  }
0xb6: {  	_ =	strace $0x9000004B  }
0xb7: {  	_ =	sfence  }
0xb8: {  	s30 =	sld [smem:$0x0];
	_ =	sdelay $0x2  }
0xb9: {  	s31 =	sshll.u32 s1, $0xD;
	s1 =	sshrl.u32 s1, $0x2  }
0xba: {  	s3 =	sand.u32 $0x4000, s31;
	s1 =	sadd.s32 s1, s30  }
0xbb: {  	s0 =	sor.u32 s3, s0;
	s1 =	sshll.u32 s1, $0x11  }
0xbc: {  	s0 =	sor.u32 s1, s0  }
0xbd: {  	s0 =	sadd.s32 $0x8F2B, s0  }
0xbe: {  	[sflag:s0] =	ssyncadd.remote.s32 $0x1  }
0xbf: {  	_ =	sfence.sel $0xFFFF  }
0xc0: {  	[dreg:$0x0] =	wrdreg $0xFFFFFFFF;
	(pc) =	sbr.abs _section_cstart, $3  }
0xc1: {  	[dreg:$0x1] =	wrdreg $0xFFFFFFFF  }
0xc2: {  	_ =	task.clear_ibuf [dreg:s7], $0x2FFFF;
	_ =	strace $0x9FFFFFFF  }
0xc3: {  	(tm) =	ssettm $0x7FFFFFFF  }
tec
execute0_lowered:
.L_overlay_start_1:
0x0: {  	(tag) =	ssettag $0x1  }
0x1: {  	s2 =	rddreg [dreg:$0x0]  }
0x2: {  	s5 =	rddreg [dreg:$0x1]  }
0x3: {  	s3 =	rddreg [dreg:$0x2]  }
0x4: {  	s0 =	rddreg [dreg:$0x3]  }
0x5: {  	s1 =	stileid.u32;
	s6 =	srdreg.scid  }
0x6: {  	s4 =	simm.s32 $0x0;
	s15 =	simm.s32 $0x1400;
	s16 =	simm.s32 $0x80  }
0x7: {  	s17 =	simm.s32 $0x2800;
	s18 =	simm.s32 $0x6800;
	s19 =	simm.s32 $0x1  }
0x8: {  	s20 =	simm.s32 $0x2;
	s21 =	simm.s32 $0x1380;
	s22 =	simm.s32 $0x2700  }
0x9: {  	s23 =	simm.s32 $0x2780;
	s24 =	simm.s32 $0x0;
	s7 =	smul.u32 $0x14000, s1  }
0xa: {  	s6 =	sand.u32 $0x1, s6;
	[smem:$0x7FF] =	sst s4;
	s11 =	sadd.s32 $0xD800, s5  }
0xb: {  	s12 =	sadd.s32 $0x3800, s5;
	s10 =	sshll.u32 s1, $0x1;
	s13 =	smul.u32 $0x50000, s1  }
0xc: {  	s31 =	sshll.u32 s1, $0x6;
	s8 =	smul.u32 $0x140000, s6;
	_ =	strace $0x8000004A  }
0xd: {  	s28 =	ssub.s32 $0x2, s6;
	s6 =	sor.u32 s6, s10;
	s9 =	sshrl.u32 s7, $0x3  }
0xe: {  	s29 =	sshrl.u32 s28, $0x1;
	s30 =	sshrl.u32 s13, $0x2;
	s10 =	smul.u32 $0x2800, s6  }
0xf: {  	s6 =	sor.u32 $0x1C03, s31;
	s7 =	sadd.s32 s7, s8;
	s26 =	sadd.s32 s9, s5  }
0x10: {  	s9 =	ssub.s32 s28, s29;
	s13 =	sadd.s32 s30, s3;
	s7 =	sshrl.u32 s7, $0x3  }
0x11: {  	s10 =	sshrl.u32 s10, $0x3;
	s8 =	smax.u32 s9, $0x1;
	s13 =	sshrl.u32 s13, $0x3  }
0x12: {  	s7 =	sadd.s32 s7, s5;
	s5 =	sadd.s32 $0x67A00, s26;
	s9 =	sadd.s32 s11, s10  }
0x13: {  	s14 =	sadd.s32 $0x280, s10;
	s10 =	sadd.s32 s12, s10;
	s7 =	sadd.s32 $0x8FA00, s7  }
0x14: {  	s11 =	sadd.s32 s11, s14;
	s12 =	sadd.s32 s12, s14;
	s14 =	simm.s32 $0x3  }
.LBB2_1:
0x15: {  	[spmem:s13], [sflag:s6] =	dma.local [hbm:s5], $0x2800  }
0x16: {  	_ =	swait.ge [sflag:s14], $0x2800  }
0x17: {  	[sflag:s14] =	ssyncset.done $0x0  }
0x18: {  	[sflag:s14] =	ssyncadd.s32 $0xFFFFD800  }
0x19: {  	[bflag:$0x0] =	sbarrier.arrive $0xFFFF  }
0x1a: {  	[tilespmem:s4], [sflag:$0x3] =	stream.linear.gather [hbm4b:s9+s4], $0x1400, $0x38;
	[tilespmem:$0x1E800] =	vst v63  }
0x1b: {  	_ =	swait.ge [sflag:s14], $0x1400  }
0x1c: {  	[sflag:s14] =	ssyncset.done $0x0  }
0x1d: {  	[sflag:s14] =	ssyncadd.s32 $0xFFFFEC00  }
0x1e: {  	[tilespmem:s15], [sflag:$0x3] =	stream.linear.gather [hbm4b:s10+s4], $0x1400, $0x38;
	[tilespmem:$0x1E800] =	vst v63  }
0x1f: {  	_ =	swait.ge [sflag:s14], $0x1400  }
0x20: {  	[sflag:s14] =	ssyncset.done $0x0  }
0x21: {  	[sflag:s14] =	ssyncadd.s32 $0xFFFFEC00  }
0x22: {  	[tilespmem:s17], [sflag:$0x1] =	stream.indirect.gather [hbm4b:s2+s16], $0x80, s4, s16, $0xb8;
	[tilespmem:$0x1E800] =	vst v63  }
0x23: {  	s25 =	simm.s32 $0x80  }
0x24: {  	[tilespmem:s18], [sflag:$0x2] =	stream.indirect.gather [hbm4b:s2+s16], $0x80, s25, s16, $0xb8;
	[tilespmem:$0x1E800] =	vst v63  }
0x25: {  	_ =	swait.ge [sflag:s19], $0x4000  }
0x26: {  	[sflag:s19] =	ssyncset.done $0x0  }
0x27: {  	s29 =	simm.s32 $0x1400;
	[sflag:s19] =	ssyncadd.s32 $0xFFFFC000  }
0x28: {  	[spmem:s3] =	stream.indirect.scatter.add.f32 [tilespmem:s17], [sflag:$0x3], $0x80, s29, s16, $0xb8;
	[tilespmem:$0x1E800] =	vst v63  }
0x29: {  	_ =	swait.ge [sflag:s14], $0x4000  }
0x2a: {  	[sflag:s14] =	ssyncset.done $0x0  }
0x2b: {  	s30 =	simm.s32 $0x100;
	[sflag:s14] =	ssyncadd.s32 $0xFFFFC000  }
0x2c: {  	[tilespmem:s17], [sflag:$0x1] =	stream.indirect.gather [hbm4b:s2+s16], $0x80, s30, s16, $0xb8;
	[tilespmem:$0x1E800] =	vst v63  }
0x2d: {  	_ =	swait.ge [sflag:s20], $0x4000  }
0x2e: {  	[sflag:s20] =	ssyncset.done $0x0  }
0x2f: {  	s31 =	simm.s32 $0x1480;
	[sflag:s20] =	ssyncadd.s32 $0xFFFFC000  }
0x30: {  	[spmem:s3] =	stream.indirect.scatter.add.f32 [tilespmem:s18], [sflag:$0x3], $0x80, s31, s16, $0xb8;
	[tilespmem:$0x1E800] =	vst v63  }
0x31: {  	_ =	swait.ge [sflag:s14], $0x4000  }
0x32: {  	s26 =	simm.s32 $0x800;
	s25 =	simm.s32 $0x100;
	[sflag:s14] =	ssyncset.done $0x0  }
.LBB2_2:
0x33: {  	s28 =	sadd.s32 $0x80, s25  }
0x34: {  	[sflag:s14] =	ssyncadd.s32 $0xFFFFC000;
	s29 =	smov.u32 s26;
	s30 =	sadd.s32 $0x400, s26  }
0x35: {  	[tilespmem:s18], [sflag:$0x2] =	stream.indirect.gather [hbm4b:s2+s16], $0x80, s28, s16, $0xb8;
	[tilespmem:$0x1E800] =	vst v63  }
0x36: {  	p0 =	sne.s32 s26, $0x4800;
	_ =	swait.ge [sflag:s19], $0x4000  }
0x37: {  	[sflag:s19] =	ssyncset.done $0x0  }
0x38: {  	s26 =	sadd.s32 $0x1400, s25;
	[sflag:s19] =	ssyncadd.s32 $0xFFFFC000  }
0x39: {  	[spmem:s3] =	stream.indirect.scatter.add.f32 [tilespmem:s17], [sflag:$0x3], $0x80, s26, s16, $0xb8;
	[tilespmem:$0x1E800] =	vst v63  }
0x3a: {  	_ =	swait.ge [sflag:s14], $0x4000  }
0x3b: {  	[sflag:s14] =	ssyncset.done $0x0  }
0x3c: {  	s26 =	sadd.s32 $0x100, s25;
	[sflag:s14] =	ssyncadd.s32 $0xFFFFC000  }
0x3d: {  	[tilespmem:s17], [sflag:$0x1] =	stream.indirect.gather [hbm4b:s2+s16], $0x80, s26, s16, $0xb8;
	[tilespmem:$0x1E800] =	vst v63  }
0x3e: {  	_ =	swait.ge [sflag:s20], $0x4000  }
.Ltmp0:
0x3f: {  	[sflag:s20] =	ssyncset.done $0x0;
	(pc) =	sbr.rel @p0 .LBB2_2-.Ltmp0, $4  }
0x40: {  	s25 =	sadd.s32 $0x1480, s25;
	[sflag:s20] =	ssyncadd.s32 $0xFFFFC000  }
0x41: {  	[spmem:s3] =	stream.indirect.scatter.add.f32 [tilespmem:s18], [sflag:$0x3], $0x80, s25, s16, $0xb8;
	[tilespmem:$0x1E800] =	vst v63  }
0x42: {  	_ =	swait.ge [sflag:s14], $0x4000  }
0x43: {  	s26 =	smov.u32 s30;
	s25 =	sshra.s32 s29, $0x2;
	[sflag:s14] =	ssyncset.done $0x0  }
0x44: {  	s26 =	sadd.s32 $0x80, s25;
	[sflag:s14] =	ssyncadd.s32 $0xFFFFC000  }
0x45: {  	[tilespmem:s18], [sflag:$0x2] =	stream.indirect.gather [hbm4b:s2+s16], $0x80, s26, s16, $0xb8;
	[tilespmem:$0x1E800] =	vst v63  }
0x46: {  	_ =	swait.ge [sflag:s19], $0x4000  }
0x47: {  	[sflag:s19] =	ssyncset.done $0x0  }
0x48: {  	s29 =	sadd.s32 $0x1400, s25;
	[sflag:s19] =	ssyncadd.s32 $0xFFFFC000  }
0x49: {  	[spmem:s3] =	stream.indirect.scatter.add.f32 [tilespmem:s17], [sflag:$0x3], $0x80, s29, s16, $0xb8;
	[tilespmem:$0x1E800] =	vst v63  }
0x4a: {  	_ =	swait.ge [sflag:s14], $0x4000  }
0x4b: {  	[sflag:s14] =	ssyncset.done $0x0  }
0x4c: {  	s30 =	sadd.s32 $0x100, s25;
	[sflag:s14] =	ssyncadd.s32 $0xFFFFC000  }
0x4d: {  	[tilespmem:s17], [sflag:$0x1] =	stream.indirect.gather [hbm4b:s2+s16], $0x80, s30, s16, $0xb8;
	[tilespmem:$0x1E800] =	vst v63  }
0x4e: {  	_ =	swait.ge [sflag:s20], $0x4000  }
0x4f: {  	[sflag:s20] =	ssyncset.done $0x0  }
0x50: {  	s31 =	sadd.s32 $0x1480, s25;
	[sflag:s20] =	ssyncadd.s32 $0xFFFFC000  }
0x51: {  	[spmem:s3] =	stream.indirect.scatter.add.f32 [tilespmem:s18], [sflag:$0x3], $0x80, s31, s16, $0xb8;
	[tilespmem:$0x1E800] =	vst v63  }
0x52: {  	_ =	swait.ge [sflag:s14], $0x4000  }
0x53: {  	[sflag:s14] =	ssyncset.done $0x0  }
0x54: {  	[sflag:s14] =	ssyncadd.s32 $0xFFFFC000  }
0x55: {  	[tilespmem:s18], [sflag:$0x2] =	stream.indirect.gather [hbm4b:s2+s16], $0x80, s21, s16, $0xb8;
	[tilespmem:$0x1E800] =	vst v63  }
0x56: {  	_ =	swait.ge [sflag:s19], $0x4000  }
0x57: {  	[sflag:s19] =	ssyncset.done $0x0  }
0x58: {  	[sflag:s19] =	ssyncadd.s32 $0xFFFFC000  }
0x59: {  	[spmem:s3] =	stream.indirect.scatter.add.f32 [tilespmem:s17], [sflag:$0x3], $0x80, s22, s16, $0xb8;
	[tilespmem:$0x1E800] =	vst v63  }
0x5a: {  	_ =	swait.ge [sflag:s14], $0x4000  }
0x5b: {  	[sflag:s14] =	ssyncset.done $0x0  }
0x5c: {  	[sflag:s14] =	ssyncadd.s32 $0xFFFFC000  }
0x5d: {  	_ =	swait.ge [sflag:s20], $0x4000  }
0x5e: {  	[sflag:s20] =	ssyncset.done $0x0  }
0x5f: {  	[sflag:s20] =	ssyncadd.s32 $0xFFFFC000  }
0x60: {  	[spmem:s3] =	stream.indirect.scatter.add.f32 [tilespmem:s18], [sflag:$0x3], $0x80, s23, s16, $0xb8;
	[tilespmem:$0x1E800] =	vst v63  }
0x61: {  	_ =	swait.ge [sflag:s14], $0x4000  }
0x62: {  	[sflag:s14] =	ssyncset.done $0x0  }
0x63: {  	s26 =	simm.s32 $0x0;
	[sflag:s14] =	ssyncadd.s32 $0xFFFFC000  }
0x64: {  	[tilespmem:s26], [sflag:$0x3] =	stream.linear.gather [hbm4b:s11+s26], $0x1400, $0x38;
	[tilespmem:$0x1E800] =	vst v63  }
0x65: {  	_ =	swait.ge [sflag:s14], $0x1400  }
0x66: {  	[sflag:s14] =	ssyncset.done $0x0  }
0x67: {  	[sflag:s14] =	ssyncadd.s32 $0xFFFFEC00  }
0x68: {  	[tilespmem:s15], [sflag:$0x3] =	stream.linear.gather [hbm4b:s12+s26], $0x1400, $0x38;
	[tilespmem:$0x1E800] =	vst v63  }
0x69: {  	_ =	swait.ge [sflag:s14], $0x1400  }
0x6a: {  	[sflag:s14] =	ssyncset.done $0x0  }
0x6b: {  	[sflag:s14] =	ssyncadd.s32 $0xFFFFEC00  }
0x6c: {  	[tilespmem:s17], [sflag:$0x1] =	stream.indirect.gather [hbm4b:s2+s16], $0x80, s26, s16, $0xb8;
	[tilespmem:$0x1E800] =	vst v63  }
0x6d: {  	s28 =	simm.s32 $0x80  }
0x6e: {  	[tilespmem:s18], [sflag:$0x2] =	stream.indirect.gather [hbm4b:s2+s16], $0x80, s28, s16, $0xb8;
	[tilespmem:$0x1E800] =	vst v63  }
0x6f: {  	_ =	swait.ge [sflag:s19], $0x4000  }
0x70: {  	[sflag:s19] =	ssyncset.done $0x0  }
0x71: {  	s29 =	simm.s32 $0x1400;
	[sflag:s19] =	ssyncadd.s32 $0xFFFFC000  }
0x72: {  	[spmem:s3] =	stream.indirect.scatter.add.f32 [tilespmem:s17], [sflag:$0x3], $0x80, s29, s16, $0xb8;
	[tilespmem:$0x1E800] =	vst v63  }
0x73: {  	_ =	swait.ge [sflag:s14], $0x4000  }
0x74: {  	[sflag:s14] =	ssyncset.done $0x0  }
0x75: {  	s30 =	simm.s32 $0x100;
	[sflag:s14] =	ssyncadd.s32 $0xFFFFC000  }
0x76: {  	[tilespmem:s17], [sflag:$0x1] =	stream.indirect.gather [hbm4b:s2+s16], $0x80, s30, s16, $0xb8;
	[tilespmem:$0x1E800] =	vst v63  }
0x77: {  	_ =	swait.ge [sflag:s20], $0x4000  }
0x78: {  	[sflag:s20] =	ssyncset.done $0x0  }
0x79: {  	s31 =	simm.s32 $0x1480;
	[sflag:s20] =	ssyncadd.s32 $0xFFFFC000  }
0x7a: {  	[spmem:s3] =	stream.indirect.scatter.add.f32 [tilespmem:s18], [sflag:$0x3], $0x80, s31, s16, $0xb8;
	[tilespmem:$0x1E800] =	vst v63  }
0x7b: {  	_ =	swait.ge [sflag:s14], $0x4000  }
0x7c: {  	s25 =	simm.s32 $0x100;
	s26 =	simm.s32 $0x800;
	[sflag:s14] =	ssyncset.done $0x0  }
.LBB2_4:
0x7d: {  	s28 =	sadd.s32 $0x80, s25  }
0x7e: {  	[sflag:s14] =	ssyncadd.s32 $0xFFFFC000;
	s29 =	smov.u32 s26;
	s30 =	sadd.s32 $0x400, s26  }
0x7f: {  	[tilespmem:s18], [sflag:$0x2] =	stream.indirect.gather [hbm4b:s2+s16], $0x80, s28, s16, $0xb8;
	[tilespmem:$0x1E800] =	vst v63  }
0x80: {  	p0 =	sne.s32 s26, $0x4800;
	_ =	swait.ge [sflag:s19], $0x4000  }
0x81: {  	[sflag:s19] =	ssyncset.done $0x0  }
0x82: {  	s26 =	sadd.s32 $0x1400, s25;
	[sflag:s19] =	ssyncadd.s32 $0xFFFFC000  }
0x83: {  	[spmem:s3] =	stream.indirect.scatter.add.f32 [tilespmem:s17], [sflag:$0x3], $0x80, s26, s16, $0xb8;
	[tilespmem:$0x1E800] =	vst v63  }
0x84: {  	_ =	swait.ge [sflag:s14], $0x4000  }
0x85: {  	[sflag:s14] =	ssyncset.done $0x0  }
0x86: {  	s26 =	sadd.s32 $0x100, s25;
	[sflag:s14] =	ssyncadd.s32 $0xFFFFC000  }
0x87: {  	[tilespmem:s17], [sflag:$0x1] =	stream.indirect.gather [hbm4b:s2+s16], $0x80, s26, s16, $0xb8;
	[tilespmem:$0x1E800] =	vst v63  }
0x88: {  	_ =	swait.ge [sflag:s20], $0x4000  }
.Ltmp1:
0x89: {  	[sflag:s20] =	ssyncset.done $0x0;
	(pc) =	sbr.rel @p0 .LBB2_4-.Ltmp1, $4  }
0x8a: {  	s25 =	sadd.s32 $0x1480, s25;
	[sflag:s20] =	ssyncadd.s32 $0xFFFFC000  }
0x8b: {  	[spmem:s3] =	stream.indirect.scatter.add.f32 [tilespmem:s18], [sflag:$0x3], $0x80, s25, s16, $0xb8;
	[tilespmem:$0x1E800] =	vst v63  }
0x8c: {  	_ =	swait.ge [sflag:s14], $0x4000  }
0x8d: {  	s26 =	smov.u32 s30;
	s25 =	sshra.s32 s29, $0x2;
	[sflag:s14] =	ssyncset.done $0x0  }
0x8e: {  	s26 =	sadd.s32 $0x80, s25;
	[sflag:s14] =	ssyncadd.s32 $0xFFFFC000  }
0x8f: {  	[tilespmem:s18], [sflag:$0x2] =	stream.indirect.gather [hbm4b:s2+s16], $0x80, s26, s16, $0xb8;
	[tilespmem:$0x1E800] =	vst v63  }
0x90: {  	_ =	swait.ge [sflag:s19], $0x4000  }
0x91: {  	[sflag:s19] =	ssyncset.done $0x0  }
0x92: {  	s29 =	sadd.s32 $0x1400, s25;
	[sflag:s19] =	ssyncadd.s32 $0xFFFFC000  }
0x93: {  	[spmem:s3] =	stream.indirect.scatter.add.f32 [tilespmem:s17], [sflag:$0x3], $0x80, s29, s16, $0xb8;
	[tilespmem:$0x1E800] =	vst v63  }
0x94: {  	_ =	swait.ge [sflag:s14], $0x4000  }
0x95: {  	[sflag:s14] =	ssyncset.done $0x0  }
0x96: {  	s30 =	sadd.s32 $0x100, s25;
	[sflag:s14] =	ssyncadd.s32 $0xFFFFC000  }
0x97: {  	[tilespmem:s17], [sflag:$0x1] =	stream.indirect.gather [hbm4b:s2+s16], $0x80, s30, s16, $0xb8;
	[tilespmem:$0x1E800] =	vst v63  }
0x98: {  	_ =	swait.ge [sflag:s20], $0x4000  }
0x99: {  	[sflag:s20] =	ssyncset.done $0x0  }
0x9a: {  	s31 =	sadd.s32 $0x1480, s25;
	[sflag:s20] =	ssyncadd.s32 $0xFFFFC000  }
0x9b: {  	[spmem:s3] =	stream.indirect.scatter.add.f32 [tilespmem:s18], [sflag:$0x3], $0x80, s31, s16, $0xb8;
	[tilespmem:$0x1E800] =	vst v63  }
0x9c: {  	_ =	swait.ge [sflag:s14], $0x4000  }
0x9d: {  	[sflag:s14] =	ssyncset.done $0x0  }
0x9e: {  	[sflag:s14] =	ssyncadd.s32 $0xFFFFC000  }
0x9f: {  	[tilespmem:s18], [sflag:$0x2] =	stream.indirect.gather [hbm4b:s2+s16], $0x80, s21, s16, $0xb8;
	[tilespmem:$0x1E800] =	vst v63  }
0xa0: {  	_ =	swait.ge [sflag:s19], $0x4000  }
0xa1: {  	[sflag:s19] =	ssyncset.done $0x0  }
0xa2: {  	[sflag:s19] =	ssyncadd.s32 $0xFFFFC000  }
0xa3: {  	[spmem:s3] =	stream.indirect.scatter.add.f32 [tilespmem:s17], [sflag:$0x3], $0x80, s22, s16, $0xb8;
	[tilespmem:$0x1E800] =	vst v63  }
0xa4: {  	_ =	swait.ge [sflag:s14], $0x4000  }
0xa5: {  	[sflag:s14] =	ssyncset.done $0x0  }
0xa6: {  	[sflag:s14] =	ssyncadd.s32 $0xFFFFC000  }
0xa7: {  	_ =	swait.ge [sflag:s20], $0x4000  }
0xa8: {  	[sflag:s20] =	ssyncset.done $0x0  }
0xa9: {  	[sflag:s20] =	ssyncadd.s32 $0xFFFFC000  }
0xaa: {  	[spmem:s3] =	stream.indirect.scatter.add.f32 [tilespmem:s18], [sflag:$0x3], $0x80, s23, s16, $0xb8;
	[tilespmem:$0x1E800] =	vst v63  }
0xab: {  	_ =	swait.ge [sflag:s14], $0x4000  }
0xac: {  	s24 =	sadd.s32 $0x1, s24;
	[sflag:s14] =	ssyncset.done $0x0  }
0xad: {  	p0 =	sne.s32 s24, s8;
	[sflag:s14] =	ssyncadd.s32 $0xFFFFC000  }
.Ltmp2:
0xae: {  	[bflag:$0x0] =	sbarrier.arrive $0xFFFF;
	(pc) =	sbr.rel @p0 .LBB2_1-.Ltmp2, $4  }
0xaf: {  	[hbm:s7], [sflag:s6] =	dma.local [spmem:s13], $0x2800  }
0xb0: {  	_ =	swait.ge [sflag:s14], $0x2800  }
0xb1: {  	[sflag:s14] =	ssyncset.done $0x0  }
0xb2: {  	[sflag:s14] =	ssyncadd.s32 $0xFFFFD800  }
0xb3: {  	_ =	sfence.sel $0x180000  }
0xb4: {  	[bflag:$0x0] =	sbarrier.arrive $0xFFFF  }
0xb5: {  	p0 =	sne.s32 s1, $0x0;
	_ =	strace $0x9000004A  }
0xb6: {  	s0 =	sadd.s32 @!p0 $0x100000, s0;
	[bflag:$0x2] =	sbarrier.arrive $0xFFFF  }
0xb7: {  	[sflag:s0] =	ssyncadd.tile.s32 @!p0 $0x1;
	_ =	shalt  }
.Lfunc_end2:
_tile_overlayer_lowered:
.L_overlay_start_2:
0xb8: {  	(tag) =	ssettag $0x2  }
0xb9: {  	s0 =	rddreg [dreg:$0x0];
	s2 =	stileid.u32  }
0xba: {  	s1 =	rddreg [dreg:$0x1];
	p0 =	sne.s32 s2, $0x0  }
0xbb: {  	s3 =	rddreg [dreg:$0x2];
	[bflag:$0x3] =	sbarrier.arrive $0xFFFF;
	s2 =	simm.s32 @!p0 $0x1C03  }
0xbc: {  	[timem:s3], [sflag:s2] =	dma.local @!p0 [hbm:s0], s1  }
0xbd: {  	s0 =	simm.s32 @!p0 $0x3  }
0xbe: {  	_ =	swait.ge @!p0 [sflag:s0], s1  }
0xbf: {  	s1 =	ssub.s32 @!p0 $0x0, s1;
	[sflag:s0] =	ssyncset.done @!p0 $0x0  }
0xc0: {  	[sflag:s0] =	ssyncadd.s32 @!p0 s1  }
0xc1: {  	[bflag:$0x3] =	sbarrier.arrive $0xFFFF  }
0xc2: {  	_ =	shalt  }

// kernel: kernel.15.cloned.1.call-start
scs
__scs_entry_jumppad:
0x0: {  	(pc) =	sbr.rel $0x88, $3  }
0x1: {  	(tag) =	ssettag $0x0;
	lr =	simm.s32 $0x1  }
0x2: {  	[smem:$0x3F94] =	sst lr;
	_ =	strace $0xD0000000  }
0x3: {  	_ = 	snop  }
0x4: {  	_ = 	snop  }
0x5: {  	_ = 	snop  }
0x6: {  	_ = 	snop  }
0x7: {  	_ = 	snop  }
__scs_overlays_trampoline_lowered:
0x8: {  	[smem:$0x3FA3] =	sst s0  }
0x9: {  	[smem:$0x3FA4] =	sst s1  }
0xa: {  	[smem:$0x3FA5] =	sst s2  }
0xb: {  	[smem:$0x3FA6] =	sst s3  }
0xc: {  	[smem:$0x3FA7] =	sst s4  }
0xd: {  	[smem:$0x3FA8] =	sst s5  }
0xe: {  	[smem:$0x3FA9] =	sst s6  }
0xf: {  	[smem:$0x3FAA] =	sst s7  }
0x10: {  	[smem:$0x3FAB] =	sst s8  }
0x11: {  	[smem:$0x3FAC] =	sst s9;
	s0 =	simm.s32 @!p0 $0x0  }
0x12: {  	s1 =	sld [smem:$0x3F92];
	s0 =	simm.s32 @p0 $0x1  }
0x13: {  	[smem:$0x3FAD] =	sst s0;
	s0 =	simm.s32 @!p1 $0x0  }
0x14: {  	s2 =	sld [smem:$0x3F91];
	s0 =	simm.s32 @p1 $0x1  }
0x15: {  	[smem:$0x3FAE] =	sst s0;
	s0 =	simm.s32 @!p2 $0x0  }
0x16: {  	s3 =	sld [smem:$0x3FDB];
	s0 =	simm.s32 @p2 $0x1  }
0x17: {  	s4 =	simm.s32 $0x1BF5;
	[smem:$0x3FB0] =	sst s0  }
0x18: {  	s0 =	sld [smem:$0x3F93];
	_ =	swait.ge [sflag:s4], $0x0  }
0x19: {  	s7 =	sld [smem:$0x3F94]  }
0x1a: {  	s8 =	sadd.s32 $0xFFFFE003, lr  }
0x1b: {  	s9 =	sadd.s32 $0xFFFFFEF7, lr;
	s5 =	simm.s32 $0xFFFFFFFF;
	p2 =	slt.u32 s8, $0xFFFFF086  }
0x1c: {  	p1 =	slt.u32 s9, $0xF7A;
	s5 =	simm.s32 @!p2 $0x0  }
0x1d: {  	s5 =	simm.s32 @p1 $0x1;
	p0 =	seq.s32 s7, s2  }
0x1e: {  	s7 =	smul.u32 @!p0 $0xF7A, s2;
	p2 =	seq.s32 @!p0 s5, $0x0  }
0x1f: {  	s9 =	smul.u32 $0xF7A, s1;
	s8 =	simm.s32 @!p0 $0x1BF5;
	p2 =	por !p2, p0  }
0x20: {  	[sflag:s8] =	ssyncset.s32 @!p0 $0xFFFFF086;
	s6 =	sadd.s32 @!p0 s3, s7;
	s7 =	simm.s32 @!p0 $0x108  }
0x21: {  	s3 =	sadd.s32 s3, s9;
	s6 =	sadd.s32 @!p0 $0x88, s6;
	s7 =	simm.s32 @p2 $0x1082  }
0x22: {  	[simem:s7], [sflag:s8] =	dma.local @!p0 [hbm:s6], $0xF7A  }
0x23: {  	s9 =	sor.u32 $0xD0000000, s2;
	s6 =	simm.s32 $0x108;
	_ =	swait.ge @!p0 [sflag:s8], $0x0  }
0x24: {  	s3 =	sadd.s32 $0x88, s3;
	s6 =	simm.s32 @!p1 $0x1082;
	[sflag:s4] =	ssyncset.s32 $0xFFFFF086  }
0x25: {  	[simem:s6], [sflag:s4] =	dma.local [hbm:s3], $0xF7A  }
0x26: {  	[smem:$0x3F94] =	sst s1;
	(tag) =	ssettag s2;
	_ =	strace s9  }
0x27: {  	s1 =	sld [smem:$0x3FA4]  }
0x28: {  	s2 =	sld [smem:$0x3FA5]  }
0x29: {  	s4 =	sld [smem:$0x3FA7]  }
0x2a: {  	p0 =	seq.s32 s5, $0x0;
	s5 =	sld [smem:$0x3FA8]  }
0x2b: {  	s6 =	sld [smem:$0x3FA9]  }
0x2c: {  	s7 =	sld [smem:$0x3FAA]  }
0x2d: {  	s3 =	simm.s32 $0x108;
	s8 =	sld [smem:$0x3FAB]  }
0x2e: {  	s3 =	simm.s32 @!p0 $0x1082;
	s9 =	sld [smem:$0x3FAC]  }
0x2f: {  	lr =	sadd.s32 s0, s3;
	s0 =	sld [smem:$0x3FA3]  }
0x30: {  	s3 =	sld [smem:$0x3FA6]  }
0x31: {  	[smem:$0x3FAF] =	sst s10  }
0x32: {  	s10 =	sld [smem:$0x3FAD];
	_ =	sdelay $0x3  }
0x33: {  	p0 =	seq.s32 s10, $0x1;
	s10 =	sld [smem:$0x3FAF];
	_ =	sdelay $0x3  }
0x34: {  	[smem:$0x3FAF] =	sst s10  }
0x35: {  	s10 =	sld [smem:$0x3FAE];
	_ =	sdelay $0x3  }
0x36: {  	p1 =	seq.s32 s10, $0x1;
	s10 =	sld [smem:$0x3FAF];
	_ =	sdelay $0x3  }
0x37: {  	[smem:$0x3FAF] =	sst s10  }
0x38: {  	s10 =	sld [smem:$0x3FB0]  }
0x39: {  	_ = 	snop;
	(pc) =	sbr.ind lr, $3  }
0x3a: {  	_ = 	snop  }
0x3b: {  	_ = 	snop  }
0x3c: {  	p2 =	seq.s32 s10, $0x1;
	s10 =	sld [smem:$0x3FAF]  }
0x3d: {  	_ =	shalt  }
0x3e: {  	_ =	shalt  }
0x3f: {  	_ =	shalt  }
0x40: {  	_ =	shalt  }
0x41: {  	_ =	shalt  }
0x42: {  	_ =	shalt  }
0x43: {  	_ =	shalt  }
0x44: {  	_ =	shalt  }
0x45: {  	_ =	shalt  }
0x46: {  	_ =	shalt  }
0x47: {  	_ =	shalt  }
0x48: {  	_ =	shalt  }
0x49: {  	_ =	shalt  }
0x4a: {  	_ =	shalt  }
0x4b: {  	_ =	shalt  }
0x4c: {  	_ =	shalt  }
0x4d: {  	_ =	shalt  }
0x4e: {  	_ =	shalt  }
0x4f: {  	_ =	shalt  }
0x50: {  	_ =	shalt  }
0x51: {  	_ =	shalt  }
0x52: {  	_ =	shalt  }
0x53: {  	_ =	shalt  }
0x54: {  	_ =	shalt  }
0x55: {  	_ =	shalt  }
0x56: {  	_ =	shalt  }
0x57: {  	_ =	shalt  }
0x58: {  	_ =	shalt  }
0x59: {  	_ =	shalt  }
0x5a: {  	_ =	shalt  }
0x5b: {  	_ =	shalt  }
0x5c: {  	_ =	shalt  }
0x5d: {  	_ =	shalt  }
0x5e: {  	_ =	shalt  }
0x5f: {  	_ =	shalt  }
0x60: {  	_ =	shalt  }
0x61: {  	_ =	shalt  }
0x62: {  	_ =	shalt  }
0x63: {  	_ =	shalt  }
0x64: {  	_ =	shalt  }
0x65: {  	_ =	shalt  }
0x66: {  	_ =	shalt  }
0x67: {  	_ =	shalt  }
0x68: {  	_ =	shalt  }
0x69: {  	_ =	shalt  }
0x6a: {  	_ =	shalt  }
0x6b: {  	_ =	shalt  }
0x6c: {  	_ =	shalt  }
0x6d: {  	_ =	shalt  }
0x6e: {  	_ =	shalt  }
0x6f: {  	_ =	shalt  }
0x70: {  	_ =	shalt  }
0x71: {  	_ =	shalt  }
0x72: {  	_ =	shalt  }
0x73: {  	_ =	shalt  }
0x74: {  	_ =	shalt  }
0x75: {  	_ =	shalt  }
0x76: {  	_ =	shalt  }
0x77: {  	_ =	shalt  }
0x78: {  	_ =	shalt  }
0x79: {  	_ =	shalt  }
0x7a: {  	_ =	shalt  }
0x7b: {  	_ =	shalt  }
0x7c: {  	_ =	shalt  }
0x7d: {  	_ =	shalt  }
0x7e: {  	_ =	shalt  }
0x7f: {  	_ =	shalt  }
0x80: {  	_ =	shalt  }
0x81: {  	_ =	shalt  }
0x82: {  	_ =	shalt  }
0x83: {  	_ =	shalt  }
0x84: {  	_ =	shalt  }
0x85: {  	_ =	shalt  }
0x86: {  	_ =	shalt  }
0x87: {  	_ =	shalt  }
.Lfunc_end0:
.L_simem_size_0:
called_computation.2_lowered:
.L_overlay_start_0:
0x88: {  	s2 =	sld [smem:$0x3FD9]  }
0x89: {  	s3 =	sld [smem:$0x3FFE];
	_ =	sdelay $0x1  }
0x8a: {  	s1 =	srdreg.scid  }
0x8b: {  	s0 =	sand.u32 $0x1, s1  }
0x8c: {  	s17 =	sshll.u32 s0, $0xA;
	s2 =	sadd.s32 s3, s2  }
0x8d: {  	s2 =	sadd.s32 s2, s17  }
0x8e: {  	[smem:$0x3FBB] =	sst s2  }
0x8f: {  	_ = 	snop  }
0x90: {  	s2 =	sld [smem:$0x3FD0];
	(tm) =	ssettm $0x1  }
0x91: {  	s18 =	sld [smem:$0x3FFB];
	_ =	sdelay $0x3  }
0x92: {  	_ =	strace s18  }
0x93: {  	s3 =	sld [smem:$0x3FFC];
	_ =	sdelay $0x3  }
0x94: {  	_ =	strace s3  }
0x95: {  	s3 =	sld [smem:$0x3FFD];
	_ =	sdelay $0x3  }
0x96: {  	_ =	strace s3  }
0x97: {  	_ =	strace $0x8FFFFFFF  }
0x98: {  	s19 =	sld [smem:$0x3FDB];
	_ =	sdelay $0x1  }
0x99: {  	s4 =	simm.s32 $_scs_section_size  }
0x9a: {  	s5 =	simm.s32 $_size__tile_overlayer_lowered;
	s6 =	simm.s32 $_tile_overlayer_lowered  }
0x9b: {  	s22 =	simm.s32 $0x1BFF;
	s21 =	sshll.u32 s6, $0x1;
	s3 =	sadd.s32 s4, s19  }
0x9c: {  	s7 =	simm.s32 $0x0;
	s20 =	sshll.u32 s5, $0x1;
	s5 =	sadd.s32 s21, s3  }
0x9d: {  	[timem:s7], [sflag:s22] =	dma.local [hbm:s5], s20  }
0x9e: {  	_ =	swait.ge [sflag:s22], s20  }
0x9f: {  	s4 =	ssub.s32 $0x0, s20;
	[sflag:s22] =	ssyncset.done $0x0  }
0xa0: {  	[sflag:s22] =	ssyncadd.s32 s4;
	_ =	sdelay $0x1  }
0xa1: {  	s23 =	simm.s32 $0x1B8B  }
0xa2: {  	_ =	swait.ge [sflag:s23], $0x1  }
0xa3: {  	[sflag:s23] =	ssyncset.done $0x0  }
0xa4: {  	s25 =	simm.s32 $0x1B8E;
	s24 =	sld [smem:$0x3FFE];
	[sflag:s23] =	ssyncadd.s32 $0xFFFFFFFF  }
0xa5: {  	s26 =	simm.s32 $execute0_lowered;
	[smem:$0x3FD2] =	sst s25  }
0xa6: {  	s5 =	sshll.u32 s26, $0x1;
	_ =	strace $0x8000004C;
	[dreg:$0x1] =	wrdreg $0xFFFFFFFF  }
0xa7: {  	s28 =	simm.s32 $_size_execute0_lowered;
	s3 =	sadd.s32 s3, s5;
	[dreg:$0x0] =	wrdreg $0x0  }
0xa8: {  	s5 =	sshll.u32 s28, $0x1;
	[dreg:$0x2] =	wrdreg s3  }
0xa9: {  	[dreg:$0x3] =	wrdreg s5  }
0xaa: {  	[dreg:$0x4] =	wrdreg $0xC0  }
0xab: {  	_ =	task [dreg:s7], $0x5FFFF  }
0xac: {  	[dreg:$0x1] =	wrdreg $0xFFFFFFFF  }
0xad: {  	[dreg:$0x0] =	wrdreg $0x60  }
0xae: {  	[dreg:$0x2] =	wrdreg s2  }
0xaf: {  	[dreg:$0x3] =	wrdreg s24  }
0xb0: {  	[dreg:$0x4] =	wrdreg $0xA8000  }
0xb1: {  	[dreg:$0x5] =	wrdreg $0x9  }
0xb2: {  	_ =	task.clear_ibuf [dreg:s7], $0x6FFFF;
	_ =	strace $0x9000004C  }
0xb3: {  	s29 =	simm.s32 $0x9;
	_ =	strace $0x8000004E  }
0xb4: {  	_ =	swait.ge [sflag:s29], $0x1  }
0xb5: {  	[sflag:s29] =	ssyncadd.s32 $0xFFFFFFFF  }
0xb6: {  	_ =	strace $0x9000004E  }
0xb7: {  	_ =	sfence  }
0xb8: {  	s30 =	sld [smem:$0x0];
	_ =	sdelay $0x2  }
0xb9: {  	s31 =	sshll.u32 s1, $0xD;
	s1 =	sshrl.u32 s1, $0x2  }
0xba: {  	s3 =	sand.u32 $0x4000, s31;
	s1 =	sadd.s32 s1, s30  }
0xbb: {  	s0 =	sor.u32 s3, s0;
	s1 =	sshll.u32 s1, $0x11  }
0xbc: {  	s0 =	sor.u32 s1, s0  }
0xbd: {  	s0 =	sadd.s32 $0x8F2B, s0  }
0xbe: {  	[sflag:s0] =	ssyncadd.remote.s32 $0x1  }
0xbf: {  	_ =	sfence.sel $0xFFFF  }
0xc0: {  	[dreg:$0x0] =	wrdreg $0xFFFFFFFF;
	(pc) =	sbr.abs _section_cstart, $3  }
0xc1: {  	[dreg:$0x1] =	wrdreg $0xFFFFFFFF  }
0xc2: {  	_ =	task.clear_ibuf [dreg:s7], $0x2FFFF;
	_ =	strace $0x9FFFFFFF  }
0xc3: {  	(tm) =	ssettm $0x7FFFFFFF  }
tec
execute0_lowered:
.L_overlay_start_1:
0x0: {  	(tag) =	ssettag $0x1  }
0x1: {  	s2 =	rddreg [dreg:$0x0]  }
0x2: {  	s5 =	rddreg [dreg:$0x1]  }
0x3: {  	s3 =	rddreg [dreg:$0x2]  }
0x4: {  	s0 =	rddreg [dreg:$0x3]  }
0x5: {  	s1 =	stileid.u32;
	s6 =	srdreg.scid  }
0x6: {  	s4 =	simm.s32 $0x0;
	s15 =	simm.s32 $0x1400;
	s16 =	simm.s32 $0x80  }
0x7: {  	s17 =	simm.s32 $0x2800;
	s18 =	simm.s32 $0x6800;
	s19 =	simm.s32 $0x1  }
0x8: {  	s20 =	simm.s32 $0x2;
	s21 =	simm.s32 $0x1380;
	s22 =	simm.s32 $0x2700  }
0x9: {  	s23 =	simm.s32 $0x2780;
	s24 =	simm.s32 $0x0;
	s7 =	smul.u32 $0x14000, s1  }
0xa: {  	s6 =	sand.u32 $0x1, s6;
	[smem:$0x7FF] =	sst s4;
	s11 =	sadd.s32 $0xD800, s5  }
0xb: {  	s12 =	sadd.s32 $0x3800, s5;
	s10 =	sshll.u32 s1, $0x1;
	s13 =	smul.u32 $0x50000, s1  }
0xc: {  	s31 =	sshll.u32 s1, $0x6;
	s8 =	smul.u32 $0x140000, s6;
	_ =	strace $0x8000004D  }
0xd: {  	s28 =	ssub.s32 $0x2, s6;
	s6 =	sor.u32 s6, s10;
	s9 =	sshrl.u32 s7, $0x3  }
0xe: {  	s29 =	sshrl.u32 s28, $0x1;
	s30 =	sshrl.u32 s13, $0x2;
	s10 =	smul.u32 $0x2800, s6  }
0xf: {  	s6 =	sor.u32 $0x1C03, s31;
	s7 =	sadd.s32 s7, s8;
	s26 =	sadd.s32 s9, s5  }
0x10: {  	s9 =	ssub.s32 s28, s29;
	s13 =	sadd.s32 s30, s3;
	s7 =	sshrl.u32 s7, $0x3  }
0x11: {  	s10 =	sshrl.u32 s10, $0x3;
	s8 =	smax.u32 s9, $0x1;
	s13 =	sshrl.u32 s13, $0x3  }
0x12: {  	s7 =	sadd.s32 s7, s5;
	s5 =	sadd.s32 $0x67A00, s26;
	s9 =	sadd.s32 s11, s10  }
0x13: {  	s14 =	sadd.s32 $0x280, s10;
	s10 =	sadd.s32 s12, s10;
	s7 =	sadd.s32 $0x8FA00, s7  }
0x14: {  	s11 =	sadd.s32 s11, s14;
	s12 =	sadd.s32 s12, s14;
	s14 =	simm.s32 $0x3  }
.LBB2_1:
0x15: {  	[spmem:s13], [sflag:s6] =	dma.local [hbm:s5], $0x2800  }
0x16: {  	_ =	swait.ge [sflag:s14], $0x2800  }
0x17: {  	[sflag:s14] =	ssyncset.done $0x0  }
0x18: {  	[sflag:s14] =	ssyncadd.s32 $0xFFFFD800  }
0x19: {  	[bflag:$0x0] =	sbarrier.arrive $0xFFFF  }
0x1a: {  	[tilespmem:s4], [sflag:$0x3] =	stream.linear.gather [hbm4b:s9+s4], $0x1400, $0x38;
	[tilespmem:$0x1E800] =	vst v63  }
0x1b: {  	_ =	swait.ge [sflag:s14], $0x1400  }
0x1c: {  	[sflag:s14] =	ssyncset.done $0x0  }
0x1d: {  	[sflag:s14] =	ssyncadd.s32 $0xFFFFEC00  }
0x1e: {  	[tilespmem:s15], [sflag:$0x3] =	stream.linear.gather [hbm4b:s10+s4], $0x1400, $0x38;
	[tilespmem:$0x1E800] =	vst v63  }
0x1f: {  	_ =	swait.ge [sflag:s14], $0x1400  }
0x20: {  	[sflag:s14] =	ssyncset.done $0x0  }
0x21: {  	[sflag:s14] =	ssyncadd.s32 $0xFFFFEC00  }
0x22: {  	[tilespmem:s17], [sflag:$0x1] =	stream.indirect.gather [hbm4b:s2+s16], $0x80, s4, s16, $0xb8;
	[tilespmem:$0x1E800] =	vst v63  }
0x23: {  	s25 =	simm.s32 $0x80  }
0x24: {  	[tilespmem:s18], [sflag:$0x2] =	stream.indirect.gather [hbm4b:s2+s16], $0x80, s25, s16, $0xb8;
	[tilespmem:$0x1E800] =	vst v63  }
0x25: {  	_ =	swait.ge [sflag:s19], $0x4000  }
0x26: {  	[sflag:s19] =	ssyncset.done $0x0  }
0x27: {  	s29 =	simm.s32 $0x1400;
	[sflag:s19] =	ssyncadd.s32 $0xFFFFC000  }
0x28: {  	[spmem:s3] =	stream.indirect.scatter.add.f32 [tilespmem:s17], [sflag:$0x3], $0x80, s29, s16, $0xb8;
	[tilespmem:$0x1E800] =	vst v63  }
0x29: {  	_ =	swait.ge [sflag:s14], $0x4000  }
0x2a: {  	[sflag:s14] =	ssyncset.done $0x0  }
0x2b: {  	s30 =	simm.s32 $0x100;
	[sflag:s14] =	ssyncadd.s32 $0xFFFFC000  }
0x2c: {  	[tilespmem:s17], [sflag:$0x1] =	stream.indirect.gather [hbm4b:s2+s16], $0x80, s30, s16, $0xb8;
	[tilespmem:$0x1E800] =	vst v63  }
0x2d: {  	_ =	swait.ge [sflag:s20], $0x4000  }
0x2e: {  	[sflag:s20] =	ssyncset.done $0x0  }
0x2f: {  	s31 =	simm.s32 $0x1480;
	[sflag:s20] =	ssyncadd.s32 $0xFFFFC000  }
0x30: {  	[spmem:s3] =	stream.indirect.scatter.add.f32 [tilespmem:s18], [sflag:$0x3], $0x80, s31, s16, $0xb8;
	[tilespmem:$0x1E800] =	vst v63  }
0x31: {  	_ =	swait.ge [sflag:s14], $0x4000  }
0x32: {  	s26 =	simm.s32 $0x800;
	s25 =	simm.s32 $0x100;
	[sflag:s14] =	ssyncset.done $0x0  }
.LBB2_2:
0x33: {  	s28 =	sadd.s32 $0x80, s25  }
0x34: {  	[sflag:s14] =	ssyncadd.s32 $0xFFFFC000;
	s29 =	smov.u32 s26;
	s30 =	sadd.s32 $0x400, s26  }
0x35: {  	[tilespmem:s18], [sflag:$0x2] =	stream.indirect.gather [hbm4b:s2+s16], $0x80, s28, s16, $0xb8;
	[tilespmem:$0x1E800] =	vst v63  }
0x36: {  	p0 =	sne.s32 s26, $0x4800;
	_ =	swait.ge [sflag:s19], $0x4000  }
0x37: {  	[sflag:s19] =	ssyncset.done $0x0  }
0x38: {  	s26 =	sadd.s32 $0x1400, s25;
	[sflag:s19] =	ssyncadd.s32 $0xFFFFC000  }
0x39: {  	[spmem:s3] =	stream.indirect.scatter.add.f32 [tilespmem:s17], [sflag:$0x3], $0x80, s26, s16, $0xb8;
	[tilespmem:$0x1E800] =	vst v63  }
0x3a: {  	_ =	swait.ge [sflag:s14], $0x4000  }
0x3b: {  	[sflag:s14] =	ssyncset.done $0x0  }
0x3c: {  	s26 =	sadd.s32 $0x100, s25;
	[sflag:s14] =	ssyncadd.s32 $0xFFFFC000  }
0x3d: {  	[tilespmem:s17], [sflag:$0x1] =	stream.indirect.gather [hbm4b:s2+s16], $0x80, s26, s16, $0xb8;
	[tilespmem:$0x1E800] =	vst v63  }
0x3e: {  	_ =	swait.ge [sflag:s20], $0x4000  }
.Ltmp0:
0x3f: {  	[sflag:s20] =	ssyncset.done $0x0;
	(pc) =	sbr.rel @p0 .LBB2_2-.Ltmp0, $4  }
0x40: {  	s25 =	sadd.s32 $0x1480, s25;
	[sflag:s20] =	ssyncadd.s32 $0xFFFFC000  }
0x41: {  	[spmem:s3] =	stream.indirect.scatter.add.f32 [tilespmem:s18], [sflag:$0x3], $0x80, s25, s16, $0xb8;
	[tilespmem:$0x1E800] =	vst v63  }
0x42: {  	_ =	swait.ge [sflag:s14], $0x4000  }
0x43: {  	s26 =	smov.u32 s30;
	s25 =	sshra.s32 s29, $0x2;
	[sflag:s14] =	ssyncset.done $0x0  }
0x44: {  	s26 =	sadd.s32 $0x80, s25;
	[sflag:s14] =	ssyncadd.s32 $0xFFFFC000  }
0x45: {  	[tilespmem:s18], [sflag:$0x2] =	stream.indirect.gather [hbm4b:s2+s16], $0x80, s26, s16, $0xb8;
	[tilespmem:$0x1E800] =	vst v63  }
0x46: {  	_ =	swait.ge [sflag:s19], $0x4000  }
0x47: {  	[sflag:s19] =	ssyncset.done $0x0  }
0x48: {  	s29 =	sadd.s32 $0x1400, s25;
	[sflag:s19] =	ssyncadd.s32 $0xFFFFC000  }
0x49: {  	[spmem:s3] =	stream.indirect.scatter.add.f32 [tilespmem:s17], [sflag:$0x3], $0x80, s29, s16, $0xb8;
	[tilespmem:$0x1E800] =	vst v63  }
0x4a: {  	_ =	swait.ge [sflag:s14], $0x4000  }
0x4b: {  	[sflag:s14] =	ssyncset.done $0x0  }
0x4c: {  	s30 =	sadd.s32 $0x100, s25;
	[sflag:s14] =	ssyncadd.s32 $0xFFFFC000  }
0x4d: {  	[tilespmem:s17], [sflag:$0x1] =	stream.indirect.gather [hbm4b:s2+s16], $0x80, s30, s16, $0xb8;
	[tilespmem:$0x1E800] =	vst v63  }
0x4e: {  	_ =	swait.ge [sflag:s20], $0x4000  }
0x4f: {  	[sflag:s20] =	ssyncset.done $0x0  }
0x50: {  	s31 =	sadd.s32 $0x1480, s25;
	[sflag:s20] =	ssyncadd.s32 $0xFFFFC000  }
0x51: {  	[spmem:s3] =	stream.indirect.scatter.add.f32 [tilespmem:s18], [sflag:$0x3], $0x80, s31, s16, $0xb8;
	[tilespmem:$0x1E800] =	vst v63  }
0x52: {  	_ =	swait.ge [sflag:s14], $0x4000  }
0x53: {  	[sflag:s14] =	ssyncset.done $0x0  }
0x54: {  	[sflag:s14] =	ssyncadd.s32 $0xFFFFC000  }
0x55: {  	[tilespmem:s18], [sflag:$0x2] =	stream.indirect.gather [hbm4b:s2+s16], $0x80, s21, s16, $0xb8;
	[tilespmem:$0x1E800] =	vst v63  }
0x56: {  	_ =	swait.ge [sflag:s19], $0x4000  }
0x57: {  	[sflag:s19] =	ssyncset.done $0x0  }
0x58: {  	[sflag:s19] =	ssyncadd.s32 $0xFFFFC000  }
0x59: {  	[spmem:s3] =	stream.indirect.scatter.add.f32 [tilespmem:s17], [sflag:$0x3], $0x80, s22, s16, $0xb8;
	[tilespmem:$0x1E800] =	vst v63  }
0x5a: {  	_ =	swait.ge [sflag:s14], $0x4000  }
0x5b: {  	[sflag:s14] =	ssyncset.done $0x0  }
0x5c: {  	[sflag:s14] =	ssyncadd.s32 $0xFFFFC000  }
0x5d: {  	_ =	swait.ge [sflag:s20], $0x4000  }
0x5e: {  	[sflag:s20] =	ssyncset.done $0x0  }
0x5f: {  	[sflag:s20] =	ssyncadd.s32 $0xFFFFC000  }
0x60: {  	[spmem:s3] =	stream.indirect.scatter.add.f32 [tilespmem:s18], [sflag:$0x3], $0x80, s23, s16, $0xb8;
	[tilespmem:$0x1E800] =	vst v63  }
0x61: {  	_ =	swait.ge [sflag:s14], $0x4000  }
0x62: {  	[sflag:s14] =	ssyncset.done $0x0  }
0x63: {  	s26 =	simm.s32 $0x0;
	[sflag:s14] =	ssyncadd.s32 $0xFFFFC000  }
0x64: {  	[tilespmem:s26], [sflag:$0x3] =	stream.linear.gather [hbm4b:s11+s26], $0x1400, $0x38;
	[tilespmem:$0x1E800] =	vst v63  }
0x65: {  	_ =	swait.ge [sflag:s14], $0x1400  }
0x66: {  	[sflag:s14] =	ssyncset.done $0x0  }
0x67: {  	[sflag:s14] =	ssyncadd.s32 $0xFFFFEC00  }
0x68: {  	[tilespmem:s15], [sflag:$0x3] =	stream.linear.gather [hbm4b:s12+s26], $0x1400, $0x38;
	[tilespmem:$0x1E800] =	vst v63  }
0x69: {  	_ =	swait.ge [sflag:s14], $0x1400  }
0x6a: {  	[sflag:s14] =	ssyncset.done $0x0  }
0x6b: {  	[sflag:s14] =	ssyncadd.s32 $0xFFFFEC00  }
0x6c: {  	[tilespmem:s17], [sflag:$0x1] =	stream.indirect.gather [hbm4b:s2+s16], $0x80, s26, s16, $0xb8;
	[tilespmem:$0x1E800] =	vst v63  }
0x6d: {  	s28 =	simm.s32 $0x80  }
0x6e: {  	[tilespmem:s18], [sflag:$0x2] =	stream.indirect.gather [hbm4b:s2+s16], $0x80, s28, s16, $0xb8;
	[tilespmem:$0x1E800] =	vst v63  }
0x6f: {  	_ =	swait.ge [sflag:s19], $0x4000  }
0x70: {  	[sflag:s19] =	ssyncset.done $0x0  }
0x71: {  	s29 =	simm.s32 $0x1400;
	[sflag:s19] =	ssyncadd.s32 $0xFFFFC000  }
0x72: {  	[spmem:s3] =	stream.indirect.scatter.add.f32 [tilespmem:s17], [sflag:$0x3], $0x80, s29, s16, $0xb8;
	[tilespmem:$0x1E800] =	vst v63  }
0x73: {  	_ =	swait.ge [sflag:s14], $0x4000  }
0x74: {  	[sflag:s14] =	ssyncset.done $0x0  }
0x75: {  	s30 =	simm.s32 $0x100;
	[sflag:s14] =	ssyncadd.s32 $0xFFFFC000  }
0x76: {  	[tilespmem:s17], [sflag:$0x1] =	stream.indirect.gather [hbm4b:s2+s16], $0x80, s30, s16, $0xb8;
	[tilespmem:$0x1E800] =	vst v63  }
0x77: {  	_ =	swait.ge [sflag:s20], $0x4000  }
0x78: {  	[sflag:s20] =	ssyncset.done $0x0  }
0x79: {  	s31 =	simm.s32 $0x1480;
	[sflag:s20] =	ssyncadd.s32 $0xFFFFC000  }
0x7a: {  	[spmem:s3] =	stream.indirect.scatter.add.f32 [tilespmem:s18], [sflag:$0x3], $0x80, s31, s16, $0xb8;
	[tilespmem:$0x1E800] =	vst v63  }
0x7b: {  	_ =	swait.ge [sflag:s14], $0x4000  }
0x7c: {  	s25 =	simm.s32 $0x100;
	s26 =	simm.s32 $0x800;
	[sflag:s14] =	ssyncset.done $0x0  }
.LBB2_4:
0x7d: {  	s28 =	sadd.s32 $0x80, s25  }
0x7e: {  	[sflag:s14] =	ssyncadd.s32 $0xFFFFC000;
	s29 =	smov.u32 s26;
	s30 =	sadd.s32 $0x400, s26  }
0x7f: {  	[tilespmem:s18], [sflag:$0x2] =	stream.indirect.gather [hbm4b:s2+s16], $0x80, s28, s16, $0xb8;
	[tilespmem:$0x1E800] =	vst v63  }
0x80: {  	p0 =	sne.s32 s26, $0x4800;
	_ =	swait.ge [sflag:s19], $0x4000  }
0x81: {  	[sflag:s19] =	ssyncset.done $0x0  }
0x82: {  	s26 =	sadd.s32 $0x1400, s25;
	[sflag:s19] =	ssyncadd.s32 $0xFFFFC000  }
0x83: {  	[spmem:s3] =	stream.indirect.scatter.add.f32 [tilespmem:s17], [sflag:$0x3], $0x80, s26, s16, $0xb8;
	[tilespmem:$0x1E800] =	vst v63  }
0x84: {  	_ =	swait.ge [sflag:s14], $0x4000  }
0x85: {  	[sflag:s14] =	ssyncset.done $0x0  }
0x86: {  	s26 =	sadd.s32 $0x100, s25;
	[sflag:s14] =	ssyncadd.s32 $0xFFFFC000  }
0x87: {  	[tilespmem:s17], [sflag:$0x1] =	stream.indirect.gather [hbm4b:s2+s16], $0x80, s26, s16, $0xb8;
	[tilespmem:$0x1E800] =	vst v63  }
0x88: {  	_ =	swait.ge [sflag:s20], $0x4000  }
.Ltmp1:
0x89: {  	[sflag:s20] =	ssyncset.done $0x0;
	(pc) =	sbr.rel @p0 .LBB2_4-.Ltmp1, $4  }
0x8a: {  	s25 =	sadd.s32 $0x1480, s25;
	[sflag:s20] =	ssyncadd.s32 $0xFFFFC000  }
0x8b: {  	[spmem:s3] =	stream.indirect.scatter.add.f32 [tilespmem:s18], [sflag:$0x3], $0x80, s25, s16, $0xb8;
	[tilespmem:$0x1E800] =	vst v63  }
0x8c: {  	_ =	swait.ge [sflag:s14], $0x4000  }
0x8d: {  	s26 =	smov.u32 s30;
	s25 =	sshra.s32 s29, $0x2;
	[sflag:s14] =	ssyncset.done $0x0  }
0x8e: {  	s26 =	sadd.s32 $0x80, s25;
	[sflag:s14] =	ssyncadd.s32 $0xFFFFC000  }
0x8f: {  	[tilespmem:s18], [sflag:$0x2] =	stream.indirect.gather [hbm4b:s2+s16], $0x80, s26, s16, $0xb8;
	[tilespmem:$0x1E800] =	vst v63  }
0x90: {  	_ =	swait.ge [sflag:s19], $0x4000  }
0x91: {  	[sflag:s19] =	ssyncset.done $0x0  }
0x92: {  	s29 =	sadd.s32 $0x1400, s25;
	[sflag:s19] =	ssyncadd.s32 $0xFFFFC000  }
0x93: {  	[spmem:s3] =	stream.indirect.scatter.add.f32 [tilespmem:s17], [sflag:$0x3], $0x80, s29, s16, $0xb8;
	[tilespmem:$0x1E800] =	vst v63  }
0x94: {  	_ =	swait.ge [sflag:s14], $0x4000  }
0x95: {  	[sflag:s14] =	ssyncset.done $0x0  }
0x96: {  	s30 =	sadd.s32 $0x100, s25;
	[sflag:s14] =	ssyncadd.s32 $0xFFFFC000  }
0x97: {  	[tilespmem:s17], [sflag:$0x1] =	stream.indirect.gather [hbm4b:s2+s16], $0x80, s30, s16, $0xb8;
	[tilespmem:$0x1E800] =	vst v63  }
0x98: {  	_ =	swait.ge [sflag:s20], $0x4000  }
0x99: {  	[sflag:s20] =	ssyncset.done $0x0  }
0x9a: {  	s31 =	sadd.s32 $0x1480, s25;
	[sflag:s20] =	ssyncadd.s32 $0xFFFFC000  }
0x9b: {  	[spmem:s3] =	stream.indirect.scatter.add.f32 [tilespmem:s18], [sflag:$0x3], $0x80, s31, s16, $0xb8;
	[tilespmem:$0x1E800] =	vst v63  }
0x9c: {  	_ =	swait.ge [sflag:s14], $0x4000  }
0x9d: {  	[sflag:s14] =	ssyncset.done $0x0  }
0x9e: {  	[sflag:s14] =	ssyncadd.s32 $0xFFFFC000  }
0x9f: {  	[tilespmem:s18], [sflag:$0x2] =	stream.indirect.gather [hbm4b:s2+s16], $0x80, s21, s16, $0xb8;
	[tilespmem:$0x1E800] =	vst v63  }
0xa0: {  	_ =	swait.ge [sflag:s19], $0x4000  }
0xa1: {  	[sflag:s19] =	ssyncset.done $0x0  }
0xa2: {  	[sflag:s19] =	ssyncadd.s32 $0xFFFFC000  }
0xa3: {  	[spmem:s3] =	stream.indirect.scatter.add.f32 [tilespmem:s17], [sflag:$0x3], $0x80, s22, s16, $0xb8;
	[tilespmem:$0x1E800] =	vst v63  }
0xa4: {  	_ =	swait.ge [sflag:s14], $0x4000  }
0xa5: {  	[sflag:s14] =	ssyncset.done $0x0  }
0xa6: {  	[sflag:s14] =	ssyncadd.s32 $0xFFFFC000  }
0xa7: {  	_ =	swait.ge [sflag:s20], $0x4000  }
0xa8: {  	[sflag:s20] =	ssyncset.done $0x0  }
0xa9: {  	[sflag:s20] =	ssyncadd.s32 $0xFFFFC000  }
0xaa: {  	[spmem:s3] =	stream.indirect.scatter.add.f32 [tilespmem:s18], [sflag:$0x3], $0x80, s23, s16, $0xb8;
	[tilespmem:$0x1E800] =	vst v63  }
0xab: {  	_ =	swait.ge [sflag:s14], $0x4000  }
0xac: {  	s24 =	sadd.s32 $0x1, s24;
	[sflag:s14] =	ssyncset.done $0x0  }
0xad: {  	p0 =	sne.s32 s24, s8;
	[sflag:s14] =	ssyncadd.s32 $0xFFFFC000  }
.Ltmp2:
0xae: {  	[bflag:$0x0] =	sbarrier.arrive $0xFFFF;
	(pc) =	sbr.rel @p0 .LBB2_1-.Ltmp2, $4  }
0xaf: {  	[hbm:s7], [sflag:s6] =	dma.local [spmem:s13], $0x2800  }
0xb0: {  	_ =	swait.ge [sflag:s14], $0x2800  }
0xb1: {  	[sflag:s14] =	ssyncset.done $0x0  }
0xb2: {  	[sflag:s14] =	ssyncadd.s32 $0xFFFFD800  }
0xb3: {  	_ =	sfence.sel $0x180000  }
0xb4: {  	[bflag:$0x0] =	sbarrier.arrive $0xFFFF  }
0xb5: {  	p0 =	sne.s32 s1, $0x0;
	_ =	strace $0x9000004D  }
0xb6: {  	s0 =	sadd.s32 @!p0 $0x100000, s0;
	[bflag:$0x2] =	sbarrier.arrive $0xFFFF  }
0xb7: {  	[sflag:s0] =	ssyncadd.tile.s32 @!p0 $0x1;
	_ =	shalt  }
.Lfunc_end2:
_tile_overlayer_lowered:
.L_overlay_start_2:
0xb8: {  	(tag) =	ssettag $0x2  }
0xb9: {  	s0 =	rddreg [dreg:$0x0];
	s2 =	stileid.u32  }
0xba: {  	s1 =	rddreg [dreg:$0x1];
	p0 =	sne.s32 s2, $0x0  }
0xbb: {  	s3 =	rddreg [dreg:$0x2];
	[bflag:$0x3] =	sbarrier.arrive $0xFFFF;
	s2 =	simm.s32 @!p0 $0x1C03  }
0xbc: {  	[timem:s3], [sflag:s2] =	dma.local @!p0 [hbm:s0], s1  }
0xbd: {  	s0 =	simm.s32 @!p0 $0x3  }
0xbe: {  	_ =	swait.ge @!p0 [sflag:s0], s1  }
0xbf: {  	s1 =	ssub.s32 @!p0 $0x0, s1;
	[sflag:s0] =	ssyncset.done @!p0 $0x0  }
0xc0: {  	[sflag:s0] =	ssyncadd.s32 @!p0 s1  }
0xc1: {  	[bflag:$0x3] =	sbarrier.arrive $0xFFFF  }
0xc2: {  	_ =	shalt  }

// kernel: kernel.9.cloned.1.call-start
scs
__scs_entry_jumppad:
0x0: {  	(pc) =	sbr.rel $0x88, $3  }
0x1: {  	(tag) =	ssettag $0x0;
	lr =	simm.s32 $0x1  }
0x2: {  	[smem:$0x3F94] =	sst lr;
	_ =	strace $0xD0000000  }
0x3: {  	_ = 	snop  }
0x4: {  	_ = 	snop  }
0x5: {  	_ = 	snop  }
0x6: {  	_ = 	snop  }
0x7: {  	_ = 	snop  }
__scs_overlays_trampoline_lowered:
0x8: {  	[smem:$0x3FA3] =	sst s0  }
0x9: {  	[smem:$0x3FA4] =	sst s1  }
0xa: {  	[smem:$0x3FA5] =	sst s2  }
0xb: {  	[smem:$0x3FA6] =	sst s3  }
0xc: {  	[smem:$0x3FA7] =	sst s4  }
0xd: {  	[smem:$0x3FA8] =	sst s5  }
0xe: {  	[smem:$0x3FA9] =	sst s6  }
0xf: {  	[smem:$0x3FAA] =	sst s7  }
0x10: {  	[smem:$0x3FAB] =	sst s8  }
0x11: {  	[smem:$0x3FAC] =	sst s9;
	s0 =	simm.s32 @!p0 $0x0  }
0x12: {  	s1 =	sld [smem:$0x3F92];
	s0 =	simm.s32 @p0 $0x1  }
0x13: {  	[smem:$0x3FAD] =	sst s0;
	s0 =	simm.s32 @!p1 $0x0  }
0x14: {  	s2 =	sld [smem:$0x3F91];
	s0 =	simm.s32 @p1 $0x1  }
0x15: {  	[smem:$0x3FAE] =	sst s0;
	s0 =	simm.s32 @!p2 $0x0  }
0x16: {  	s3 =	sld [smem:$0x3FDB];
	s0 =	simm.s32 @p2 $0x1  }
0x17: {  	s4 =	simm.s32 $0x1BF5;
	[smem:$0x3FB0] =	sst s0  }
0x18: {  	s0 =	sld [smem:$0x3F93];
	_ =	swait.ge [sflag:s4], $0x0  }
0x19: {  	s7 =	sld [smem:$0x3F94]  }
0x1a: {  	s8 =	sadd.s32 $0xFFFFE003, lr  }
0x1b: {  	s9 =	sadd.s32 $0xFFFFFEF7, lr;
	s5 =	simm.s32 $0xFFFFFFFF;
	p2 =	slt.u32 s8, $0xFFFFF086  }
0x1c: {  	p1 =	slt.u32 s9, $0xF7A;
	s5 =	simm.s32 @!p2 $0x0  }
0x1d: {  	s5 =	simm.s32 @p1 $0x1;
	p0 =	seq.s32 s7, s2  }
0x1e: {  	s7 =	smul.u32 @!p0 $0xF7A, s2;
	p2 =	seq.s32 @!p0 s5, $0x0  }
0x1f: {  	s9 =	smul.u32 $0xF7A, s1;
	s8 =	simm.s32 @!p0 $0x1BF5;
	p2 =	por !p2, p0  }
0x20: {  	[sflag:s8] =	ssyncset.s32 @!p0 $0xFFFFF086;
	s6 =	sadd.s32 @!p0 s3, s7;
	s7 =	simm.s32 @!p0 $0x108  }
0x21: {  	s3 =	sadd.s32 s3, s9;
	s6 =	sadd.s32 @!p0 $0x88, s6;
	s7 =	simm.s32 @p2 $0x1082  }
0x22: {  	[simem:s7], [sflag:s8] =	dma.local @!p0 [hbm:s6], $0xF7A  }
0x23: {  	s9 =	sor.u32 $0xD0000000, s2;
	s6 =	simm.s32 $0x108;
	_ =	swait.ge @!p0 [sflag:s8], $0x0  }
0x24: {  	s3 =	sadd.s32 $0x88, s3;
	s6 =	simm.s32 @!p1 $0x1082;
	[sflag:s4] =	ssyncset.s32 $0xFFFFF086  }
0x25: {  	[simem:s6], [sflag:s4] =	dma.local [hbm:s3], $0xF7A  }
0x26: {  	[smem:$0x3F94] =	sst s1;
	(tag) =	ssettag s2;
	_ =	strace s9  }
0x27: {  	s1 =	sld [smem:$0x3FA4]  }
0x28: {  	s2 =	sld [smem:$0x3FA5]  }
0x29: {  	s4 =	sld [smem:$0x3FA7]  }
0x2a: {  	p0 =	seq.s32 s5, $0x0;
	s5 =	sld [smem:$0x3FA8]  }
0x2b: {  	s6 =	sld [smem:$0x3FA9]  }
0x2c: {  	s7 =	sld [smem:$0x3FAA]  }
0x2d: {  	s3 =	simm.s32 $0x108;
	s8 =	sld [smem:$0x3FAB]  }
0x2e: {  	s3 =	simm.s32 @!p0 $0x1082;
	s9 =	sld [smem:$0x3FAC]  }
0x2f: {  	lr =	sadd.s32 s0, s3;
	s0 =	sld [smem:$0x3FA3]  }
0x30: {  	s3 =	sld [smem:$0x3FA6]  }
0x31: {  	[smem:$0x3FAF] =	sst s10  }
0x32: {  	s10 =	sld [smem:$0x3FAD];
	_ =	sdelay $0x3  }
0x33: {  	p0 =	seq.s32 s10, $0x1;
	s10 =	sld [smem:$0x3FAF];
	_ =	sdelay $0x3  }
0x34: {  	[smem:$0x3FAF] =	sst s10  }
0x35: {  	s10 =	sld [smem:$0x3FAE];
	_ =	sdelay $0x3  }
0x36: {  	p1 =	seq.s32 s10, $0x1;
	s10 =	sld [smem:$0x3FAF];
	_ =	sdelay $0x3  }
0x37: {  	[smem:$0x3FAF] =	sst s10  }
0x38: {  	s10 =	sld [smem:$0x3FB0]  }
0x39: {  	_ = 	snop;
	(pc) =	sbr.ind lr, $3  }
0x3a: {  	_ = 	snop  }
0x3b: {  	_ = 	snop  }
0x3c: {  	p2 =	seq.s32 s10, $0x1;
	s10 =	sld [smem:$0x3FAF]  }
0x3d: {  	_ =	shalt  }
0x3e: {  	_ =	shalt  }
0x3f: {  	_ =	shalt  }
0x40: {  	_ =	shalt  }
0x41: {  	_ =	shalt  }
0x42: {  	_ =	shalt  }
0x43: {  	_ =	shalt  }
0x44: {  	_ =	shalt  }
0x45: {  	_ =	shalt  }
0x46: {  	_ =	shalt  }
0x47: {  	_ =	shalt  }
0x48: {  	_ =	shalt  }
0x49: {  	_ =	shalt  }
0x4a: {  	_ =	shalt  }
0x4b: {  	_ =	shalt  }
0x4c: {  	_ =	shalt  }
0x4d: {  	_ =	shalt  }
0x4e: {  	_ =	shalt  }
0x4f: {  	_ =	shalt  }
0x50: {  	_ =	shalt  }
0x51: {  	_ =	shalt  }
0x52: {  	_ =	shalt  }
0x53: {  	_ =	shalt  }
0x54: {  	_ =	shalt  }
0x55: {  	_ =	shalt  }
0x56: {  	_ =	shalt  }
0x57: {  	_ =	shalt  }
0x58: {  	_ =	shalt  }
0x59: {  	_ =	shalt  }
0x5a: {  	_ =	shalt  }
0x5b: {  	_ =	shalt  }
0x5c: {  	_ =	shalt  }
0x5d: {  	_ =	shalt  }
0x5e: {  	_ =	shalt  }
0x5f: {  	_ =	shalt  }
0x60: {  	_ =	shalt  }
0x61: {  	_ =	shalt  }
0x62: {  	_ =	shalt  }
0x63: {  	_ =	shalt  }
0x64: {  	_ =	shalt  }
0x65: {  	_ =	shalt  }
0x66: {  	_ =	shalt  }
0x67: {  	_ =	shalt  }
0x68: {  	_ =	shalt  }
0x69: {  	_ =	shalt  }
0x6a: {  	_ =	shalt  }
0x6b: {  	_ =	shalt  }
0x6c: {  	_ =	shalt  }
0x6d: {  	_ =	shalt  }
0x6e: {  	_ =	shalt  }
0x6f: {  	_ =	shalt  }
0x70: {  	_ =	shalt  }
0x71: {  	_ =	shalt  }
0x72: {  	_ =	shalt  }
0x73: {  	_ =	shalt  }
0x74: {  	_ =	shalt  }
0x75: {  	_ =	shalt  }
0x76: {  	_ =	shalt  }
0x77: {  	_ =	shalt  }
0x78: {  	_ =	shalt  }
0x79: {  	_ =	shalt  }
0x7a: {  	_ =	shalt  }
0x7b: {  	_ =	shalt  }
0x7c: {  	_ =	shalt  }
0x7d: {  	_ =	shalt  }
0x7e: {  	_ =	shalt  }
0x7f: {  	_ =	shalt  }
0x80: {  	_ =	shalt  }
0x81: {  	_ =	shalt  }
0x82: {  	_ =	shalt  }
0x83: {  	_ =	shalt  }
0x84: {  	_ =	shalt  }
0x85: {  	_ =	shalt  }
0x86: {  	_ =	shalt  }
0x87: {  	_ =	shalt  }
.Lfunc_end0:
.L_simem_size_0:
called_computation_lowered:
.L_overlay_start_0:
0x88: {  	s2 =	sld [smem:$0x3FD9]  }
0x89: {  	s3 =	sld [smem:$0x3FFE];
	_ =	sdelay $0x1  }
0x8a: {  	s1 =	srdreg.scid  }
0x8b: {  	s0 =	sand.u32 $0x1, s1  }
0x8c: {  	s17 =	sshll.u32 s0, $0xA;
	s2 =	sadd.s32 s3, s2  }
0x8d: {  	s2 =	sadd.s32 s2, s17  }
0x8e: {  	[smem:$0x3FBB] =	sst s2  }
0x8f: {  	_ = 	snop  }
0x90: {  	s2 =	sld [smem:$0x3FD0];
	(tm) =	ssettm $0x1  }
0x91: {  	s18 =	sld [smem:$0x3FFB];
	_ =	sdelay $0x3  }
0x92: {  	_ =	strace s18  }
0x93: {  	s3 =	sld [smem:$0x3FFC];
	_ =	sdelay $0x3  }
0x94: {  	_ =	strace s3  }
0x95: {  	s3 =	sld [smem:$0x3FFD];
	_ =	sdelay $0x3  }
0x96: {  	_ =	strace s3  }
0x97: {  	_ =	strace $0x8FFFFFFF  }
0x98: {  	s19 =	sld [smem:$0x3FDB];
	_ =	sdelay $0x1  }
0x99: {  	s4 =	simm.s32 $_scs_section_size  }
0x9a: {  	s5 =	simm.s32 $_size__tile_overlayer_lowered;
	s6 =	simm.s32 $_tile_overlayer_lowered  }
0x9b: {  	s22 =	simm.s32 $0x1BFF;
	s21 =	sshll.u32 s6, $0x1;
	s3 =	sadd.s32 s4, s19  }
0x9c: {  	s7 =	simm.s32 $0x0;
	s20 =	sshll.u32 s5, $0x1;
	s5 =	sadd.s32 s21, s3  }
0x9d: {  	[timem:s7], [sflag:s22] =	dma.local [hbm:s5], s20  }
0x9e: {  	_ =	swait.ge [sflag:s22], s20  }
0x9f: {  	s4 =	ssub.s32 $0x0, s20;
	[sflag:s22] =	ssyncset.done $0x0  }
0xa0: {  	[sflag:s22] =	ssyncadd.s32 s4;
	_ =	sdelay $0x1  }
0xa1: {  	s23 =	simm.s32 $0x1B8B  }
0xa2: {  	_ =	swait.ge [sflag:s23], $0x1  }
0xa3: {  	[sflag:s23] =	ssyncset.done $0x0  }
0xa4: {  	s25 =	simm.s32 $0x1B8E;
	s24 =	sld [smem:$0x3FFE];
	[sflag:s23] =	ssyncadd.s32 $0xFFFFFFFF  }
0xa5: {  	s26 =	simm.s32 $execute0_lowered;
	[smem:$0x3FD2] =	sst s25  }
0xa6: {  	s5 =	sshll.u32 s26, $0x1;
	_ =	strace $0x80000046;
	[dreg:$0x1] =	wrdreg $0xFFFFFFFF  }
0xa7: {  	s28 =	simm.s32 $_size_execute0_lowered;
	s3 =	sadd.s32 s3, s5;
	[dreg:$0x0] =	wrdreg $0x0  }
0xa8: {  	s5 =	sshll.u32 s28, $0x1;
	[dreg:$0x2] =	wrdreg s3  }
0xa9: {  	[dreg:$0x3] =	wrdreg s5  }
0xaa: {  	[dreg:$0x4] =	wrdreg $0xC0  }
0xab: {  	_ =	task [dreg:s7], $0x5FFFF  }
0xac: {  	[dreg:$0x1] =	wrdreg $0xFFFFFFFF  }
0xad: {  	[dreg:$0x0] =	wrdreg $0x60  }
0xae: {  	[dreg:$0x2] =	wrdreg s24  }
0xaf: {  	[dreg:$0x3] =	wrdreg s2  }
0xb0: {  	[dreg:$0x4] =	wrdreg $0x16B000  }
0xb1: {  	[dreg:$0x5] =	wrdreg $0x9  }
0xb2: {  	_ =	task.clear_ibuf [dreg:s7], $0x6FFFF;
	_ =	strace $0x90000046  }
0xb3: {  	s29 =	simm.s32 $0x9;
	_ =	strace $0x80000048  }
0xb4: {  	_ =	swait.ge [sflag:s29], $0x1  }
0xb5: {  	[sflag:s29] =	ssyncadd.s32 $0xFFFFFFFF  }
0xb6: {  	_ =	strace $0x90000048  }
0xb7: {  	_ =	sfence  }
0xb8: {  	s30 =	sld [smem:$0x0];
	_ =	sdelay $0x2  }
0xb9: {  	s31 =	sshll.u32 s1, $0xD;
	s1 =	sshrl.u32 s1, $0x2  }
0xba: {  	s3 =	sand.u32 $0x4000, s31;
	s1 =	sadd.s32 s1, s30  }
0xbb: {  	s0 =	sor.u32 s3, s0;
	s1 =	sshll.u32 s1, $0x11  }
0xbc: {  	s0 =	sor.u32 s1, s0  }
0xbd: {  	s0 =	sadd.s32 $0x8F2B, s0  }
0xbe: {  	[sflag:s0] =	ssyncadd.remote.s32 $0x1  }
0xbf: {  	_ =	sfence.sel $0xFFFF  }
0xc0: {  	[dreg:$0x0] =	wrdreg $0xFFFFFFFF;
	(pc) =	sbr.abs _section_cstart, $3  }
0xc1: {  	[dreg:$0x1] =	wrdreg $0xFFFFFFFF  }
0xc2: {  	_ =	task.clear_ibuf [dreg:s7], $0x2FFFF;
	_ =	strace $0x9FFFFFFF  }
0xc3: {  	(tm) =	ssettm $0x7FFFFFFF  }
tec
execute0_lowered:
.L_overlay_start_1:
0x0: {  	(tag) =	ssettag $0x1  }
0x1: {  	s5 =	rddreg [dreg:$0x0]  }
0x2: {  	s1 =	srdreg.scid;
	s6 =	rddreg [dreg:$0x1]  }
0x3: {  	s0 =	stileid.u32;
	s2 =	rddreg [dreg:$0x2];
	s3 =	simm.s32 $0x0  }
0x4: {  	s14 =	simm.s32 $0x80;
	s15 =	simm.s32 $0x2880;
	s16 =	simm.s32 $0x2B00  }
0x5: {  	s17 =	simm.s32 $0x0;
	s4 =	sand.u32 $0x1, s1;
	s9 =	smul.u32 $0x14000, s0  }
0x6: {  	s25 =	sshll.u32 s0, $0x1;
	[smem:$0x7FF] =	sst s3;
	s11 =	smul.u32 $0x280, s0  }
0x7: {  	s31 =	sshll.u32 s0, $0x6;
	s1 =	sor.u32 s4, s25;
	s8 =	smul.u32 $0x140000, s4  }
0x8: {  	s28 =	ssub.s32 $0x2, s4;
	s4 =	sadd.s32 $0x17800, s5;
	s7 =	smul.u32 $0x500, s1  }
0x9: {  	s1 =	rddreg [dreg:$0x3];
	_ =	strace $0x80000047;
	s29 =	sshrl.u32 s28, $0x1  }
0xa: {  	s30 =	sshrl.u32 s11, $0x3;
	s26 =	sadd.s32 s9, s8;
	s13 =	ssub.s32 s28, s29  }
0xb: {  	s6 =	sadd.s32 s6, s30;
	s10 =	sadd.s32 s7, s5;
	s7 =	sshrl.u32 s26, $0x3  }
0xc: {  	s12 =	sadd.s32 s7, s5;
	s5 =	sadd.s32 s11, s2;
	s7 =	sor.u32 $0x1C01, s31  }
0xd: {  	s8 =	sadd.s32 $0x3800, s10;
	s10 =	smax.u32 s13, $0x1;
	s13 =	simm.s32 $0x2800  }
0xe: {  	s9 =	sadd.s32 $0x17A00, s12;
	s11 =	sshrl.u32 s5, $0x3;
	s12 =	simm.s32 $0x1  }
.LBB2_1:
0xf: {  	[spmem:s11], [sflag:s7] =	dma.local [hbm:s6], $0x50  }
0x10: {  	_ =	swait.ge [sflag:s12], $0x50  }
0x11: {  	[sflag:s12] =	ssyncset.done $0x0  }
0x12: {  	[sflag:s12] =	ssyncadd.s32 $0xFFFFFFB0  }
0x13: {  	[tilespmem:s3], [sflag:$0x1] =	stream.linear.gather [hbm4b:s8+s3], $0x2800, $0x38;
	[tilespmem:$0x16D80] =	vst v63  }
0x14: {  	_ =	swait.ge [sflag:s12], $0x2800  }
0x15: {  	[sflag:s12] =	ssyncset.done $0x0  }
0x16: {  	[sflag:s12] =	ssyncadd.s32 $0xFFFFD800  }
0x17: {  	[tilespmem:s13], [sflag:$0x1] =	stream.linear.gather [hbm4b:s4+s3], $0x80, $0x38;
	[tilespmem:$0x16D80] =	vst v63  }
0x18: {  	_ =	swait.ge [sflag:s12], $0x80  }
0x19: {  	[sflag:s12] =	ssyncset.done $0x0  }
0x1a: {  	[sflag:s12] =	ssyncadd.s32 $0xFFFFFF80  }
0x1b: {  	s18 =	simm.s32 $0x0;
	[bflag:$0x0] =	sbarrier.arrive $0xFFFF  }
0x1c: {  	[spmem:s2] =	stream.indirect.scatter.add.f32 [tilespmem:s13], [sflag:$0x1], $0x1, s18, s14, $0xb8;
	[tilespmem:$0x16D80] =	vst v63  }
0x1d: {  	_ =	swait.ge [sflag:s12], $0x80  }
0x1e: {  	s18 =	simm.s32 $0x200;
	[sflag:s12] =	ssyncset.done $0x0  }
.LBB2_2:
0x1f: {  	s19 =	sshra.s32 s18, $0x2;
	[sflag:s12] =	ssyncadd.s32 $0xFFFFFF80;
	p0 =	sne.s32 s18, $0x9E00  }
0x20: {  	[spmem:s2] =	stream.indirect.scatter.add.f32 [tilespmem:s13], [sflag:$0x1], $0x1, s19, s14, $0xb8;
	[tilespmem:$0x16D80] =	vst v63  }
.Ltmp0:
0x21: {  	_ = 	snop;
	(pc) =	sbr.rel @p0 .LBB2_2-.Ltmp0, $4  }
0x22: {  	_ = 	snop  }
0x23: {  	s18 =	sadd.s32 $0x200, s18  }
0x24: {  	_ =	swait.ge [sflag:s12], $0x80  }
0x25: {  	[sflag:s12] =	ssyncset.done $0x0  }
0x26: {  	[sflag:s12] =	ssyncadd.s32 $0xFFFFFF80  }
0x27: {  	[bflag:$0x0] =	sbarrier.arrive $0xFFFF  }
0x28: {  	[tilespmem:s15], [sflag:$0x1] =	stream.linear.gather [spmem:s5], $0x280, $0x38;
	[tilespmem:$0x16D80] =	vst v63  }
0x29: {  	_ =	swait.ge [sflag:s12], $0x280  }
0x2a: {  	[sflag:s12] =	ssyncset.done $0x0  }
0x2b: {  	s18 =	simm.s32 $0x0;
	[sflag:s12] =	ssyncadd.s32 $0xFFFFFD80  }
0x2c: {  	v0 =	vld [tilespmem:s18+$0x2880];
	_ =	sdelay $0x4  }
0x2d: {  	v1 =	vbroadcast v0, $0x0  }
0x2e: {  	s18 =	simm.s32 $0x2F00;
	v2 =	vbroadcast v0, $0x1  }
0x2f: {  	v3 =	vbroadcast v0, $0x2;
	[tilespmem:s18+$0xFFFFFC00] =	vst v1  }
0x30: {  	v52 =	vbroadcast v0, $0x3;
	[tilespmem:s18+$0xFFFFFC80] =	vst v2  }
0x31: {  	v53 =	vbroadcast v0, $0x4;
	[tilespmem:s18+$0xFFFFFD00] =	vst v3  }
0x32: {  	v54 =	vbroadcast v0, $0x5;
	[tilespmem:s18+$0xFFFFFD80] =	vst v52  }
0x33: {  	v55 =	vbroadcast v0, $0x6;
	[tilespmem:s18+$0xFFFFFE00] =	vst v53  }
0x34: {  	v56 =	vbroadcast v0, $0x7;
	[tilespmem:s18+$0xFFFFFE80] =	vst v54  }
0x35: {  	v57 =	vbroadcast v0, $0x8;
	[tilespmem:s18+$0xFFFFFF00] =	vst v55  }
0x36: {  	v58 =	vbroadcast v0, $0x9;
	[tilespmem:s18+$0xFFFFFF80] =	vst v56  }
0x37: {  	v59 =	vbroadcast v0, $0xA;
	[tilespmem:s18+$0x0] =	vst v57  }
0x38: {  	v60 =	vbroadcast v0, $0xB;
	[tilespmem:s18+$0x80] =	vst v58  }
0x39: {  	v61 =	vbroadcast v0, $0xC;
	[tilespmem:s18+$0x100] =	vst v59  }
0x3a: {  	v62 =	vbroadcast v0, $0xD;
	[tilespmem:s18+$0x180] =	vst v60  }
0x3b: {  	v63 =	vbroadcast v0, $0xE;
	[tilespmem:s18+$0x200] =	vst v61  }
0x3c: {  	v0 =	vbroadcast v0, $0xF;
	[tilespmem:s18+$0x280] =	vst v62  }
0x3d: {  	[tilespmem:s18+$0x300] =	vst v63  }
0x3e: {  	s20 =	simm.s32 $0x10;
	s19 =	simm.s32 $0x80;
	[tilespmem:s18+$0x380] =	vst v0  }
.LBB2_4:
0x3f: {  	p0 =	sne.s32 s19, $0x9C0;
	v0 =	vld [tilespmem:s20+$0x2880];
	_ =	sdelay $0x4  }
0x40: {  	v1 =	vbroadcast v0, $0x0;
	v2 =	vbroadcast v0, $0x1  }
0x41: {  	s18 =	sadd.s32 $0x800, s18;
	v3 =	vbroadcast v0, $0x2;
	v4 =	vbroadcast v0, $0x3  }
0x42: {  	v5 =	vbroadcast v0, $0x5;
	[tilespmem:s18+$0xFFFFFC00] =	vst v1;
	v1 =	vbroadcast v0, $0x4  }
0x43: {  	v6 =	vbroadcast v0, $0x7;
	[tilespmem:s18+$0xFFFFFC80] =	vst v2;
	v2 =	vbroadcast v0, $0x6  }
0x44: {  	v7 =	vbroadcast v0, $0x9;
	[tilespmem:s18+$0xFFFFFD00] =	vst v3;
	v3 =	vbroadcast v0, $0x8  }
0x45: {  	v8 =	vbroadcast v0, $0xB;
	[tilespmem:s18+$0xFFFFFD80] =	vst v4;
	v4 =	vbroadcast v0, $0xA  }
0x46: {  	v9 =	vbroadcast v0, $0xD;
	[tilespmem:s18+$0xFFFFFE00] =	vst v1;
	v1 =	vbroadcast v0, $0xC  }
0x47: {  	[tilespmem:s18+$0xFFFFFE80] =	vst v5;
	v5 =	vbroadcast v0, $0xE;
	v0 =	vbroadcast v0, $0xF  }
0x48: {  	[tilespmem:s18+$0xFFFFFF00] =	vst v2  }
0x49: {  	[tilespmem:s18+$0xFFFFFF80] =	vst v6  }
0x4a: {  	[tilespmem:s18+$0x0] =	vst v3  }
0x4b: {  	[tilespmem:s18+$0x80] =	vst v7  }
0x4c: {  	[tilespmem:s18+$0x100] =	vst v4  }
.Ltmp1:
0x4d: {  	[tilespmem:s18+$0x180] =	vst v8;
	(pc) =	sbr.rel @p0 .LBB2_4-.Ltmp1, $4  }
0x4e: {  	[tilespmem:s18+$0x200] =	vst v1  }
0x4f: {  	[tilespmem:s18+$0x280] =	vst v9  }
0x50: {  	[tilespmem:s18+$0x300] =	vst v5  }
0x51: {  	s20 =	sshra.s32 s19, $0x2;
	s19 =	sadd.s32 $0x40, s19;
	[tilespmem:s18+$0x380] =	vst v0  }
0x52: {  	v0 =	vld [tilespmem:s20+$0x2880];
	_ =	sdelay $0x4  }
0x53: {  	v1 =	vbroadcast v0, $0x0  }
0x54: {  	s18 =	sadd.s32 $0x800, s18;
	v2 =	vbroadcast v0, $0x1  }
0x55: {  	v3 =	vbroadcast v0, $0x2;
	[tilespmem:s18+$0xFFFFFC00] =	vst v1  }
0x56: {  	v52 =	vbroadcast v0, $0x3;
	[tilespmem:s18+$0xFFFFFC80] =	vst v2  }
0x57: {  	v53 =	vbroadcast v0, $0x4;
	[tilespmem:s18+$0xFFFFFD00] =	vst v3  }
0x58: {  	v54 =	vbroadcast v0, $0x5;
	[tilespmem:s18+$0xFFFFFD80] =	vst v52  }
0x59: {  	v55 =	vbroadcast v0, $0x6;
	[tilespmem:s18+$0xFFFFFE00] =	vst v53  }
0x5a: {  	v56 =	vbroadcast v0, $0x7;
	[tilespmem:s18+$0xFFFFFE80] =	vst v54  }
0x5b: {  	v57 =	vbroadcast v0, $0x8;
	[tilespmem:s18+$0xFFFFFF00] =	vst v55  }
0x5c: {  	v58 =	vbroadcast v0, $0x9;
	[tilespmem:s18+$0xFFFFFF80] =	vst v56  }
0x5d: {  	v59 =	vbroadcast v0, $0xA;
	[tilespmem:s18+$0x0] =	vst v57  }
0x5e: {  	v60 =	vbroadcast v0, $0xB;
	[tilespmem:s18+$0x80] =	vst v58  }
0x5f: {  	v61 =	vbroadcast v0, $0xC;
	[tilespmem:s18+$0x100] =	vst v59  }
0x60: {  	v62 =	vbroadcast v0, $0xD;
	[tilespmem:s18+$0x180] =	vst v60  }
0x61: {  	v63 =	vbroadcast v0, $0xE;
	[tilespmem:s18+$0x200] =	vst v61  }
0x62: {  	s17 =	sadd.s32 $0x1, s17;
	v0 =	vbroadcast v0, $0xF;
	[tilespmem:s18+$0x280] =	vst v62  }
0x63: {  	p0 =	sne.s32 s17, s10;
	[tilespmem:s18+$0x300] =	vst v63  }
.Ltmp2:
0x64: {  	[tilespmem:s18+$0x380] =	vst v0;
	(pc) =	sbr.rel @p0 .LBB2_1-.Ltmp2, $4  }
0x65: {  	[hbm4b:s9+s3] =	stream.linear.scatter [tilespmem:s16], [sflag:$0x1], $0x14000, $0x38;
	[tilespmem:$0x16D80] =	vst v63  }
0x66: {  	_ =	swait.ge [sflag:s12], $0x14000  }
0x67: {  	[sflag:s12] =	ssyncset.done $0x0  }
0x68: {  	[sflag:s12] =	ssyncadd.s32 $0xFFFEC000  }
0x69: {  	_ =	sfence.sel $0x180000  }
0x6a: {  	[bflag:$0x0] =	sbarrier.arrive $0xFFFF  }
0x6b: {  	p0 =	sne.s32 s0, $0x0;
	_ =	strace $0x90000047  }
0x6c: {  	s0 =	sadd.s32 @!p0 $0x100000, s1;
	[bflag:$0x2] =	sbarrier.arrive $0xFFFF  }
0x6d: {  	[sflag:s0] =	ssyncadd.tile.s32 @!p0 $0x1;
	_ =	shalt  }
.Lfunc_end2:
_tile_overlayer_lowered:
.L_overlay_start_2:
0x6e: {  	(tag) =	ssettag $0x2  }
0x6f: {  	s0 =	rddreg [dreg:$0x0];
	s2 =	stileid.u32  }
0x70: {  	s1 =	rddreg [dreg:$0x1];
	p0 =	sne.s32 s2, $0x0  }
0x71: {  	s3 =	rddreg [dreg:$0x2];
	[bflag:$0x3] =	sbarrier.arrive $0xFFFF;
	s2 =	simm.s32 @!p0 $0x1C01  }
0x72: {  	[timem:s3], [sflag:s2] =	dma.local @!p0 [hbm:s0], s1  }
0x73: {  	s0 =	simm.s32 @!p0 $0x1  }
0x74: {  	_ =	swait.ge @!p0 [sflag:s0], s1  }
0x75: {  	s1 =	ssub.s32 @!p0 $0x0, s1;
	[sflag:s0] =	ssyncset.done @!p0 $0x0  }
0x76: {  	[sflag:s0] =	ssyncadd.s32 @!p0 s1  }
0x77: {  	[bflag:$0x3] =	sbarrier.arrive $0xFFFF  }
0x78: {  	_ =	shalt  }

</sc_bundles>
